<compile_context>
chip_gen: v7x
topology: tpu7x:2x2x1
jax: 0.10.2.dev20260603
libtpu: 0.0.44.dev20260713+nightly
codegen_flags: <defaults>
</compile_context>

<pallas_src>
import functools

import jax
import jax.numpy as jnp
from jax import lax
from jax.experimental import pallas as pl
from jax.experimental.pallas import tpu as pltpu
from jax.experimental.pallas import tpu_sc as plsc

B = 8
N = 4096
CF = 64
NFPS = 512
K = 32
RAD2 = 0.2 * 0.2
EPSBN = 1e-5
NSUB = 32
NLANE = 128
DPAD = 80
M_TOT = B * NFPS * K
TM = 512
TL = 2048

_HI = jax.lax.Precision.HIGHEST


def _dot(a, b, dims, precision=_HI):
    return jax.lax.dot_general(a, b, (dims, ((), ())), precision=precision,
                               preferred_element_type=jnp.float32)



BPC = 4


def _fps_kernel(cr_ref, cent_ref):
    pxs = [cr_ref[bi, 0] for bi in range(BPC)]
    pys = [cr_ref[bi, 1] for bi in range(BPC)]
    pzs = [cr_ref[bi, 2] for bi in range(BPC)]
    gidx = (jax.lax.broadcasted_iota(jnp.int32, (NSUB, NLANE), 0) * NLANE
            + jax.lax.broadcasted_iota(jnp.int32, (NSUB, NLANE), 1))

    def body(i, carry):
        out = []
        for bi in range(BPC):
            d, f = carry[bi]
            px, py, pz = pxs[bi], pys[bi], pzs[bi]
            sel = gidx == f
            cx = jnp.sum(jnp.where(sel, px, 0.0), keepdims=True)
            cy = jnp.sum(jnp.where(sel, py, 0.0), keepdims=True)
            cz = jnp.sum(jnp.where(sel, pz, 0.0), keepdims=True)
            cent_ref[bi, pl.ds(i, 1), :] = jnp.concatenate(
                [cx, cy, cz], axis=1)
            dx = px - cx
            dy = py - cy
            dz = pz - cz
            dist = (dx * dx + dz * dz) + dy * dy
            d = jnp.minimum(d, dist)
            dmax = jnp.max(d, keepdims=True)
            f_new = jnp.min(jnp.where(d == dmax, gidx, N), keepdims=True)
            out.append((d, f_new))
        return tuple(out)

    d0 = jnp.full((NSUB, NLANE), 1e10, jnp.float32)
    f0 = jnp.zeros((1, 1), jnp.int32)
    jax.lax.fori_loop(0, NFPS, body, tuple((d0, f0) for _ in range(BPC)))


def _run_fps(cr):
    return pl.pallas_call(
        _fps_kernel,
        grid=(B // BPC,),
        in_specs=[pl.BlockSpec((BPC, 3, NSUB, NLANE),
                               lambda g: (g, 0, 0, 0))],
        out_specs=pl.BlockSpec((BPC, NFPS, 3), lambda g: (g, 0, 0)),
        out_shape=jax.ShapeDtypeStruct((B, NFPS, 3), jnp.float32),
        compiler_params=pltpu.CompilerParams(
            dimension_semantics=("parallel",)),
    )(cr)



BQW = 512
BQC = N // BQW


def _bq_kernel(cent_ref, cr_ref, tri_ref, idx_ref):
    cent = cent_ref[0]
    cx = cent[:, 0:1]
    cy = cent[:, 1:2]
    cz = cent[:, 2:3]
    a2 = cx * cx + cy * cy + cz * cz
    tri = tri_ref[...]

    def body(c, carry):
        acc, base = carry
        pc = cr_ref[0, :, c]
        pxc = pc[0:1, :]
        pyc = pc[1:2, :]
        pzc = pc[2:3, :]
        b2 = pxc * pxc + pyc * pyc + pzc * pzc
        ab = jax.lax.dot_general(cent, pc, (((1,), (0,)), ((), ())),
                                 preferred_element_type=jnp.float32)
        sqr = (a2 + b2) - 2.0 * ab
        maskf = jnp.where(sqr <= RAD2, 1.0, 0.0)
        local = _dot(maskf, tri, (((1,), (0,))))
        rank = base + local
        conts = [jnp.sum(jnp.where(rank <= float(j), 1.0, 0.0), axis=1,
                         keepdims=True) for j in range(K)]
        acc = acc + jnp.concatenate(conts, axis=1)
        base = base + jnp.sum(maskf, axis=1, keepdims=True)
        return acc, base

    acc0 = jnp.zeros((NFPS, K), jnp.float32)
    base0 = jnp.zeros((NFPS, 1), jnp.float32)
    acc, _ = jax.lax.fori_loop(0, BQC, body, (acc0, base0))
    first = acc[:, 0:1]
    filled = jnp.where(acc == float(N), jnp.broadcast_to(first, acc.shape),
                       acc)
    local = jnp.clip(filled, 0.0, float(N - 1)).astype(jnp.int32)
    idx_ref[0] = local + pl.program_id(0) * N


def _run_bq(cent, cr2, tri):
    return pl.pallas_call(
        _bq_kernel,
        grid=(B,),
        in_specs=[
            pl.BlockSpec((1, NFPS, 3), lambda b: (b, 0, 0)),
            pl.BlockSpec((1, 3, BQC, BQW), lambda b: (b, 0, 0, 0)),
            pl.BlockSpec((BQW, BQW), lambda b: (0, 0)),
        ],
        out_specs=pl.BlockSpec((1, NFPS, K), lambda b: (b, 0, 0)),
        out_shape=jax.ShapeDtypeStruct((B, NFPS, K), jnp.int32),
        compiler_params=pltpu.CompilerParams(
            dimension_semantics=("parallel",)),
    )(cent, cr2, tri)



NW = 32
RPW = M_TOT // NW
CH = 128
NCH = RPW // CH


def _sc_gather_body(tab_ref, idx_ref, out_ref, idx_v, buf, sem):
    wid = lax.axis_index("s") * 2 + lax.axis_index("c")
    base = wid * RPW
    pltpu.sync_copy(idx_ref.at[pl.ds(base, RPW)], idx_v)

    def body(j, carry):
        off = pl.multiple_of(j * CH, CH)
        pltpu.async_copy(tab_ref.at[idx_v.at[pl.ds(off, CH)]], buf,
                         sem).wait()
        pltpu.sync_copy(buf, out_ref.at[pl.ds(base + off, CH)])
        return carry

    lax.fori_loop(0, NCH, body, 0)


def _run_sc_gather(table_all, idx_flat):
    mesh = plsc.VectorSubcoreMesh(core_axis_name="c", subcore_axis_name="s")
    k = functools.partial(
        pl.kernel,
        mesh=mesh,
        compiler_params=pltpu.CompilerParams(use_tc_tiling_on_sc=False),
        out_type=jax.ShapeDtypeStruct((M_TOT, DPAD), jnp.float32),
        scratch_types=[
            pltpu.VMEM((RPW,), jnp.int32),
            pltpu.VMEM((CH, DPAD), jnp.float32),
            pltpu.SemaphoreType.DMA,
        ],
    )(_sc_gather_body)
    return k(table_all, idx_flat)



def _gram_kernel(x_ref, c_ref, g_ref):
    x = x_ref[...]
    xc = jnp.concatenate([x[:, 0:3] - c_ref[...], x[:, 3:]], axis=1)
    xa = jnp.concatenate([xc, jnp.ones((TL, 1), jnp.float32)], axis=1)
    g = _dot(xa, xa, (((0,), (0,))), precision=None)

    @pl.when(pl.program_id(0) == 0)
    def _():
        g_ref[...] = jnp.zeros_like(g_ref)

    g_ref[...] += g


def _run_gram(x, crepf):
    steps = M_TOT // TL
    return pl.pallas_call(
        _gram_kernel,
        grid=(steps,),
        in_specs=[
            pl.BlockSpec((TL, DPAD), lambda s: (s, 0)),
            pl.BlockSpec((TL, 3), lambda s: (s, 0)),
        ],
        out_specs=pl.BlockSpec((DPAD + 1, DPAD + 1), lambda s: (0, 0)),
        out_shape=jax.ShapeDtypeStruct((DPAD + 1, DPAD + 1), jnp.float32),
        compiler_params=pltpu.CompilerParams(
            dimension_semantics=("arbitrary",)),
    )(x, crepf)



def _stats_kernel(g_ref, wt_ref, ga_ref, be_ref, scale_ref, bias_ref, *,
                  din):
    G = g_ref[...]
    m = G[din:din + 1, 0:din] / M_TOT
    gx = G[0:din, 0:din] / M_TOT
    cov = gx - _dot(m, m, (((0,), (0,))))
    wt = wt_ref[...]
    mean_y = _dot(m, wt, (((1,), (0,))))
    covw = _dot(cov, wt, (((1,), (0,))))
    var_y = jnp.sum(wt * covw, axis=0, keepdims=True)
    scale = ga_ref[...] / jnp.sqrt(var_y + EPSBN)
    scale_ref[...] = scale
    bias_ref[...] = be_ref[...] - scale * mean_y


def _run_stats(g, wt, ga, be):
    din = wt.shape[0]
    dout = wt.shape[1]
    return pl.pallas_call(
        functools.partial(_stats_kernel, din=din),
        out_shape=[
            jax.ShapeDtypeStruct((1, dout), jnp.float32),
            jax.ShapeDtypeStruct((1, dout), jnp.float32),
        ],
    )(g, wt, ga, be)



def _layer1_kernel(x_ref, c_ref, wt_ref, s_ref, b_ref, v_ref, g_ref):
    x = x_ref[...]
    xc = jnp.concatenate([x[:, 0:3] - c_ref[...], x[:, 3:]], axis=1)
    y = _dot(xc, wt_ref[...], (((1,), (0,))))
    v = jnp.maximum(y * s_ref[...] + b_ref[...], 0.0)
    v_ref[...] = v
    va = jnp.concatenate([v, jnp.ones((TL, 1), jnp.float32)], axis=1)
    g = _dot(va, va, (((0,), (0,))), precision=None)

    @pl.when(pl.program_id(0) == 0)
    def _():
        g_ref[...] = jnp.zeros_like(g_ref)

    g_ref[...] += g


def _run_layer1(x, crepf, wt, scale, bias):
    steps = M_TOT // TL
    din = wt.shape[0]
    dout = wt.shape[1]
    return pl.pallas_call(
        _layer1_kernel,
        grid=(steps,),
        in_specs=[
            pl.BlockSpec((TL, din), lambda s: (s, 0)),
            pl.BlockSpec((TL, 3), lambda s: (s, 0)),
            pl.BlockSpec((din, dout), lambda s: (0, 0)),
            pl.BlockSpec((1, dout), lambda s: (0, 0)),
            pl.BlockSpec((1, dout), lambda s: (0, 0)),
        ],
        out_specs=[
            pl.BlockSpec((TL, dout), lambda s: (s, 0)),
            pl.BlockSpec((dout + 1, dout + 1), lambda s: (0, 0)),
        ],
        out_shape=[
            jax.ShapeDtypeStruct((M_TOT, dout), jnp.float32),
            jax.ShapeDtypeStruct((dout + 1, dout + 1), jnp.float32),
        ],
        compiler_params=pltpu.CompilerParams(
            dimension_semantics=("arbitrary",)),
    )(x, crepf, wt, scale, bias)


def _layer_kernel(x_ref, wt_ref, s_ref, b_ref, v_ref, g_ref):
    y = _dot(x_ref[...], wt_ref[...], (((1,), (0,))))
    v = jnp.maximum(y * s_ref[...] + b_ref[...], 0.0)
    v_ref[...] = v
    va = jnp.concatenate([v, jnp.ones((TL, 1), jnp.float32)], axis=1)
    g = _dot(va, va, (((0,), (0,))), precision=None)

    @pl.when(pl.program_id(0) == 0)
    def _():
        g_ref[...] = jnp.zeros_like(g_ref)

    g_ref[...] += g


def _run_layer(x, wt, scale, bias):
    steps = M_TOT // TL
    din = wt.shape[0]
    dout = wt.shape[1]
    return pl.pallas_call(
        _layer_kernel,
        grid=(steps,),
        in_specs=[
            pl.BlockSpec((TL, din), lambda s: (s, 0)),
            pl.BlockSpec((din, dout), lambda s: (0, 0)),
            pl.BlockSpec((1, dout), lambda s: (0, 0)),
            pl.BlockSpec((1, dout), lambda s: (0, 0)),
        ],
        out_specs=[
            pl.BlockSpec((TL, dout), lambda s: (s, 0)),
            pl.BlockSpec((dout + 1, dout + 1), lambda s: (0, 0)),
        ],
        out_shape=[
            jax.ShapeDtypeStruct((M_TOT, dout), jnp.float32),
            jax.ShapeDtypeStruct((dout + 1, dout + 1), jnp.float32),
        ],
        compiler_params=pltpu.CompilerParams(
            dimension_semantics=("arbitrary",)),
    )(x, wt, scale, bias)


def _layer3_kernel(x_ref, wt_ref, s_ref, b_ref, o_ref):
    y = _dot(x_ref[...], wt_ref[...], (((1,), (0,))))
    v = jnp.maximum(y * s_ref[...] + b_ref[...], 0.0)
    for g in range(TL // K):
        o_ref[g:g + 1, :] = jnp.max(v[g * K:(g + 1) * K, :], axis=0,
                                    keepdims=True)


def _run_layer3(x, wt, scale, bias):
    steps = M_TOT // TL
    din = wt.shape[0]
    dout = wt.shape[1]
    return pl.pallas_call(
        _layer3_kernel,
        grid=(steps,),
        in_specs=[
            pl.BlockSpec((TL, din), lambda s: (s, 0)),
            pl.BlockSpec((din, dout), lambda s: (0, 0)),
            pl.BlockSpec((1, dout), lambda s: (0, 0)),
            pl.BlockSpec((1, dout), lambda s: (0, 0)),
        ],
        out_specs=pl.BlockSpec((TL // K, dout), lambda s: (s, 0)),
        out_shape=jax.ShapeDtypeStruct((B * NFPS, dout), jnp.float32),
        compiler_params=pltpu.CompilerParams(
            dimension_semantics=("parallel",)),
    )(x, wt, scale, bias)



def kernel(coords, features, W1, b1, g1, be1, W2, b2, g2, be2,
           W3, b3, g3, be3):
    cr = coords.reshape(B, 3, NSUB, NLANE)
    cent = _run_fps(cr)
    new_coords = cent.transpose(0, 2, 1)

    tri = jnp.triu(jnp.ones((BQW, BQW), jnp.float32))
    idx = _run_bq(cent, coords.reshape(B, 3, BQC, BQW), tri)

    table_all = jnp.concatenate(
        [coords.transpose(0, 2, 1), features.transpose(0, 2, 1),
         jnp.zeros((B, N, DPAD - 3 - CF), jnp.float32)],
        axis=2).reshape(B * N, DPAD)
    x = _run_sc_gather(table_all, idx.reshape(-1))
    crepf = jnp.repeat(cent, K, axis=1).reshape(M_TOT, 3)
    g0 = _run_gram(x, crepf)

    w1t = jnp.concatenate(
        [W1, jnp.zeros((W1.shape[0], DPAD - W1.shape[1]), jnp.float32)],
        axis=1).T
    s1, bi1 = _run_stats(g0, w1t, g1.reshape(1, -1), be1.reshape(1, -1))
    v1, gm1 = _run_layer1(x, crepf, w1t, s1, bi1)

    w2t = W2.T
    s2, bi2 = _run_stats(gm1, w2t, g2.reshape(1, -1), be2.reshape(1, -1))
    v2, gm2 = _run_layer(v1, w2t, s2, bi2)

    w3t = W3.T
    s3, bi3 = _run_stats(gm2, w3t, g3.reshape(1, -1), be3.reshape(1, -1))
    pooled = _run_layer3(v2, w3t, s3, bi3)

    new_features = pooled.reshape(B, NFPS, -1).transpose(0, 2, 1)
    return (new_coords, new_features)

# --- scband reference (transcript-rebuilt; emitter-appended) ---
"""Pipeline reference for scband-point-net-set-abstraction-46420006535334 (READ-ONLY COPY).

The authoritative reference and input builder live on the scoring server;
editing this copy changes nothing except your own understanding.
"""

import jax, jax.numpy as jnp
import numpy as np

NUM_FPS = 512
RADIUS = 0.2
NUM_BQ = 32
EPS = 1e-5


def index2points(points, idx):
    # points: (B, C, N), idx: (B, ...) -> (B, C, ...)
    B, C, N = points.shape
    idx_flat = idx.reshape(B, -1).astype(jnp.int32)
    gathered = jnp.take_along_axis(points, idx_flat[:, None, :], axis=2)
    return gathered.reshape((B, C) + idx.shape[1:])


def farthest_point_sampling(coords, num_samples):
    xyz = jax.lax.stop_gradient(jnp.transpose(coords, (0, 2, 1)))  # (B, N, 3)
    B, N, _ = xyz.shape

    def body(i, state):
        distances, farthest, indices = state
        indices = indices.at[:, i].set(farthest)
        centroid = xyz[jnp.arange(B)[:, None], farthest[:, None]]  # (B, 1, 3)
        dist = jnp.sum((xyz - centroid) ** 2, axis=-1)  # (B, N)
        distances = jnp.minimum(distances, dist)
        farthest = jnp.argmax(distances, axis=-1).astype(jnp.int32)
        return (distances, farthest, indices)

    distances = jnp.full((B, N), 1e10, dtype=xyz.dtype)
    farthest = jnp.zeros((B,), dtype=jnp.int32)
    indices = jnp.zeros((B, num_samples), dtype=jnp.int32)
    _, _, indices = jax.lax.fori_loop(0, num_samples, body, (distances, farthest, indices))
    return indices


def square_distance(a, b):
    # a: (B, 3, S), b: (B, 3, N) -> (B, S, N)
    a2 = jnp.sum(a ** 2, axis=1)[:, :, None]
    b2 = jnp.sum(b ** 2, axis=1)[:, None, :]
    ab = jnp.einsum('bcs,bcn->bsn', a, b)
    return a2 + b2 - 2.0 * ab


def ball_query(center, coords, k, radius):
    B, _, S = center.shape
    N = coords.shape[2]
    sqr = square_distance(jax.lax.stop_gradient(center), jax.lax.stop_gradient(coords))
    gidx = jnp.broadcast_to(jnp.arange(N, dtype=jnp.int32), (B, S, N))
    gidx = jnp.where(sqr > radius ** 2, N, gidx)
    gidx = jnp.sort(gidx, axis=-1)[:, :, :k]
    first = gidx[:, :, :1]
    gidx = jnp.where(gidx == N, jnp.broadcast_to(first, gidx.shape), gidx)
    gidx = jnp.clip(gidx, 0, N - 1)
    return gidx, sqr


def mlp_layer(x, W, b, g, be):
    # Conv2d 1x1 + BatchNorm2d (training-mode batch stats) + ReLU
    y = jnp.einsum('oi,bisk->bosk', W, x) + b[None, :, None, None]
    mean = jnp.mean(y, axis=(0, 2, 3), keepdims=True)
    var = jnp.var(y, axis=(0, 2, 3), keepdims=True)
    y = (y - mean) / jnp.sqrt(var + EPS)
    y = y * g[None, :, None, None] + be[None, :, None, None]
    return jax.nn.relu(y)


def setup_inputs(seed: int = 0):
    key = jax.random.key(seed)
    ks = jax.random.split(key, 8)
    coords = jax.random.uniform(ks[0], (8, 3, 4096), dtype=jnp.float32)
    features = jax.random.normal(ks[1], (8, 64, 4096), dtype=jnp.float32)

    def xavier(k, out_c, in_c):
        limit = float(np.sqrt(6.0 / (in_c + out_c)))
        return jax.random.uniform(k, (out_c, in_c), minval=-limit, maxval=limit, dtype=jnp.float32)

    W1 = xavier(ks[2], 64, 67)
    W2 = xavier(ks[3], 64, 64)
    W3 = xavier(ks[4], 128, 64)
    return dict(
        coords=coords, features=features,
        W1=W1, b1=jnp.zeros((64,), jnp.float32), g1=jnp.ones((64,), jnp.float32), be1=jnp.zeros((64,), jnp.float32),
        W2=W2, b2=jnp.zeros((64,), jnp.float32), g2=jnp.ones((64,), jnp.float32), be2=jnp.zeros((64,), jnp.float32),
        W3=W3, b3=jnp.zeros((128,), jnp.float32), g3=jnp.ones((128,), jnp.float32), be3=jnp.zeros((128,), jnp.float32),
    )


def reference(coords, features, W1, b1, g1, be1, W2, b2, g2, be2, W3, b3, g3, be3):
    fps_idx = farthest_point_sampling(coords, NUM_FPS)
    new_coords = index2points(coords, fps_idx)  # (B, 3, S)
    idx, _ = ball_query(new_coords, coords, NUM_BQ, RADIUS)  # (B, S, K)
    grouped_coords = index2points(coords, idx) - new_coords[:, :, :, None]  # (B, 3, S, K)
    grouped_features = index2points(features, idx)  # (B, C, S, K)
    x = jnp.concatenate([grouped_coords, grouped_features], axis=1)  # (B, 3+C, S, K)
    x = mlp_layer(x, W1, b1, g1, be1)
    x = mlp_layer(x, W2, b2, g2, be2)
    x = mlp_layer(x, W3, b3, g3, be3)
    new_features = jnp.max(x, axis=-1)  # (B, 128, S)
    return (new_coords, new_features)

if __name__ == "__main__":
    import jax
    _d = setup_inputs()
    print(jax.jit(kernel)(*tuple(_d.values())))

</pallas_src>

<mosaic_0001>
#map = affine_map<(d0, d1) -> (0, 0)>
#map1 = affine_map<(d0, d1) -> (0)>
module attributes {stable_mosaic.version = 14 : i64} {
  func.func @_sc_gather_body(%arg0: i32, %arg1: i32, %arg2: memref<32768x80xf32, #tpu.memory_space<hbm>>, %arg3: memref<131072xi32, #tpu.memory_space<hbm>>, %arg4: memref<131072x80xf32, #tpu.memory_space<hbm>>, %arg5: memref<4096xi32, #tpu.memory_space<vmem>>, %arg6: memref<128x80xf32, #tpu.memory_space<vmem>>, %arg7: memref<!tpu.dma_semaphore, #tpu.memory_space<semaphore_mem>>) attributes {dimension_semantics = [#tpu.dimension_semantics<core_parallel>, #tpu.dimension_semantics<subcore_parallel>], iteration_bounds = array<i64: 2, 16>, scalar_prefetch = 0 : i64, scratch_operands = 3 : i64, tpu.core_type = #tpu.core_type<sc_vector_subcore>, window_params = [{transform_indices = #map}, {transform_indices = #map1}, {transform_indices = #map}]} {
    %mul3A = arith.constant 2 : i32
    %mul3A_0 = arith.muli %arg1, %mul3A : i32
    %add3A = arith.addi %mul3A_0, %arg0 : i32
    %mul3A_1 = arith.constant 4096 : i32
    %mul3A_2 = arith.muli %add3A, %mul3A_1 : i32
    "tpu.region"() ({
      %run_scoped3A = tpu.sem_alloc : memref<!tpu.dma_semaphore, #tpu.memory_space<semaphore_mem>>
      %dma_start3A = tpu.memref_slice %arg3[%mul3A_2] : memref<131072xi32, #tpu.memory_space<hbm>> -> memref<4096xi32, #tpu.memory_space<hbm>>
      %dma_start3A_8 = tpu.memref_slice %arg3[%mul3A_2] : memref<131072xi32, #tpu.memory_space<hbm>> -> memref<4096xi32, #tpu.memory_space<hbm>>
      tpu.enqueue_dma source(%dma_start3A_8 : memref<4096xi32, #tpu.memory_space<hbm>>) target(%arg5 : memref<4096xi32, #tpu.memory_space<vmem>>) target_semaphore(%run_scoped3A : memref<!tpu.dma_semaphore, #tpu.memory_space<semaphore_mem>>)
      %dma_wait3A = tpu.memref_slice %arg3[%mul3A_2] : memref<131072xi32, #tpu.memory_space<hbm>> -> memref<4096xi32, #tpu.memory_space<hbm>>
      %dma_wait3A_9 = tpu.memref_slice %arg3[%mul3A_2] : memref<131072xi32, #tpu.memory_space<hbm>> -> memref<4096xi32, #tpu.memory_space<hbm>>
      tpu.wait_dma2 semaphore(%run_scoped3A : memref<!tpu.dma_semaphore, #tpu.memory_space<semaphore_mem>>) src(%dma_wait3A_9 : memref<4096xi32, #tpu.memory_space<hbm>>) dst(%arg5 : memref<4096xi32, #tpu.memory_space<vmem>>)
      tpu.yield
    }) : () -> ()
    %scan3A = arith.constant 0 : i32
    %scan3A_3 = arith.constant 0 : i32
    %scan3A_4 = arith.constant 32 : i32
    %scan3A_5 = arith.addi %scan3A_3, %scan3A_4 : i32
    %scan3A_6 = arith.constant 1 : i32
    scf.for %scan3A_8 = %scan3A_3 to %scan3A_5 step %scan3A_6  : i32 {
      %mul3A_9 = arith.constant 128 : i32
      %mul3A_10 = arith.muli %scan3A_8, %mul3A_9 : i32
      %multiple_of3A = tpu.assume_multiple %mul3A_10, 128 : i32
      %dma_start3A = tpu.memref_slice %arg5[%multiple_of3A] : memref<4096xi32, #tpu.memory_space<vmem>> -> memref<128xi32, #tpu.memory_space<vmem>>
      %dma_start3A_11 = arith.constant 0 : i32
      %dma_start3A_12 = arith.constant 0 : i32
      %dma_start3A_13 = tpu.memref_slice %arg2[%dma_start3A_11, %dma_start3A_12] : memref<32768x80xf32, #tpu.memory_space<hbm>> -> memref<32768x80xf32, #tpu.memory_space<hbm>>
      tpu.enqueue_indirect_dma source(%dma_start3A_13 : memref<32768x80xf32, #tpu.memory_space<hbm>>) target(%arg6 : memref<128x80xf32, #tpu.memory_space<vmem>>) offsets(%dma_start3A : memref<128xi32, #tpu.memory_space<vmem>>) semaphore(%arg7 : memref<!tpu.dma_semaphore, #tpu.memory_space<semaphore_mem>>)
      %dma_wait3A = tpu.memref_slice %arg5[%multiple_of3A] : memref<4096xi32, #tpu.memory_space<vmem>> -> memref<128xi32, #tpu.memory_space<vmem>>
      %dma_wait3A_14 = arith.constant 0 : i32
      %dma_wait3A_15 = arith.constant 0 : i32
      %dma_wait3A_16 = tpu.memref_slice %arg2[%dma_wait3A_14, %dma_wait3A_15] : memref<32768x80xf32, #tpu.memory_space<hbm>> -> memref<32768x80xf32, #tpu.memory_space<hbm>>
      tpu.wait_indirect_dma semaphore(%arg7 : memref<!tpu.dma_semaphore, #tpu.memory_space<semaphore_mem>>) src(%dma_wait3A_16 : memref<32768x80xf32, #tpu.memory_space<hbm>>) dst(%arg6 : memref<128x80xf32, #tpu.memory_space<vmem>>)
      %add3A_17 = arith.addi %mul3A_2, %multiple_of3A : i32
      "tpu.region"() ({
        %run_scoped3A = tpu.sem_alloc : memref<!tpu.dma_semaphore, #tpu.memory_space<semaphore_mem>>
        %dma_start3A_18 = arith.constant 0 : i32
        %dma_start3A_19 = tpu.memref_slice %arg4[%add3A_17, %dma_start3A_18] : memref<131072x80xf32, #tpu.memory_space<hbm>> -> memref<128x80xf32, #tpu.memory_space<hbm>>
        %dma_start3A_20 = arith.constant 0 : i32
        %dma_start3A_21 = tpu.memref_slice %arg4[%add3A_17, %dma_start3A_20] : memref<131072x80xf32, #tpu.memory_space<hbm>> -> memref<128x80xf32, #tpu.memory_space<hbm>>
        tpu.enqueue_dma source(%arg6 : memref<128x80xf32, #tpu.memory_space<vmem>>) target(%dma_start3A_21 : memref<128x80xf32, #tpu.memory_space<hbm>>) target_semaphore(%run_scoped3A : memref<!tpu.dma_semaphore, #tpu.memory_space<semaphore_mem>>)
        %dma_wait3A_22 = arith.constant 0 : i32
        %dma_wait3A_23 = tpu.memref_slice %arg4[%add3A_17, %dma_wait3A_22] : memref<131072x80xf32, #tpu.memory_space<hbm>> -> memref<128x80xf32, #tpu.memory_space<hbm>>
        %dma_wait3A_24 = arith.constant 0 : i32
        %dma_wait3A_25 = tpu.memref_slice %arg4[%add3A_17, %dma_wait3A_24] : memref<131072x80xf32, #tpu.memory_space<hbm>> -> memref<128x80xf32, #tpu.memory_space<hbm>>
        tpu.wait_dma2 semaphore(%run_scoped3A : memref<!tpu.dma_semaphore, #tpu.memory_space<semaphore_mem>>) src(%arg6 : memref<128x80xf32, #tpu.memory_space<vmem>>) dst(%dma_wait3A_25 : memref<128x80xf32, #tpu.memory_space<hbm>>)
        tpu.yield
      }) : () -> ()
    }
    %scan3A_7 = arith.constant 32 : i32
    return
  }
}

module attributes {stable_mosaic.version = 14 : i64} {
  func.func @_fps_kernel(%arg0: i32, %arg1: memref<4x3x32x128xf32, #tpu.memory_space<vmem>>, %arg2: memref<4x512x3xf32, #tpu.memory_space<vmem>>) attributes {dimension_semantics = [#tpu.dimension_semantics<parallel>], iteration_bounds = array<i64: 2>, scalar_prefetch = 0 : i64, scratch_operands = 0 : i64, tpu.core_type = #tpu.core_type<tc>, window_params = [{transform_indices = @transform_0, window_bounds = array<i64: 4, 3, 32, 128>}, {transform_indices = @transform_1, window_bounds = array<i64: 4, 512, 3>}]} {
    %get3A = arith.constant 0 : index
    %get3A_0 = arith.constant 0 : index
    %get3A_1 = arith.constant 0 : index
    %get3A_2 = arith.constant 0 : index
    %get3A_3 = vector.load %arg1[%get3A, %get3A_0, %get3A_1, %get3A_2] : memref<4x3x32x128xf32, #tpu.memory_space<vmem>>, vector<1x1x32x128xf32>
    %get3A_4 = vector.shape_cast %get3A_3 : vector<1x1x32x128xf32> to vector<32x128xf32>
    %get3A_5 = arith.constant 1 : index
    %get3A_6 = arith.constant 0 : index
    %get3A_7 = arith.constant 0 : index
    %get3A_8 = arith.constant 0 : index
    %get3A_9 = vector.load %arg1[%get3A_5, %get3A_6, %get3A_7, %get3A_8] : memref<4x3x32x128xf32, #tpu.memory_space<vmem>>, vector<1x1x32x128xf32>
    %get3A_10 = vector.shape_cast %get3A_9 : vector<1x1x32x128xf32> to vector<32x128xf32>
    %get3A_11 = arith.constant 2 : index
    %get3A_12 = arith.constant 0 : index
    %get3A_13 = arith.constant 0 : index
    %get3A_14 = arith.constant 0 : index
    %get3A_15 = vector.load %arg1[%get3A_11, %get3A_12, %get3A_13, %get3A_14] : memref<4x3x32x128xf32, #tpu.memory_space<vmem>>, vector<1x1x32x128xf32>
    %get3A_16 = vector.shape_cast %get3A_15 : vector<1x1x32x128xf32> to vector<32x128xf32>
    %get3A_17 = arith.constant 3 : index
    %get3A_18 = arith.constant 0 : index
    %get3A_19 = arith.constant 0 : index
    %get3A_20 = arith.constant 0 : index
    %get3A_21 = vector.load %arg1[%get3A_17, %get3A_18, %get3A_19, %get3A_20] : memref<4x3x32x128xf32, #tpu.memory_space<vmem>>, vector<1x1x32x128xf32>
    %get3A_22 = vector.shape_cast %get3A_21 : vector<1x1x32x128xf32> to vector<32x128xf32>
    %get3A_23 = arith.constant 0 : index
    %get3A_24 = arith.constant 1 : index
    %get3A_25 = arith.constant 0 : index
    %get3A_26 = arith.constant 0 : index
    %get3A_27 = vector.load %arg1[%get3A_23, %get3A_24, %get3A_25, %get3A_26] : memref<4x3x32x128xf32, #tpu.memory_space<vmem>>, vector<1x1x32x128xf32>
    %get3A_28 = vector.shape_cast %get3A_27 : vector<1x1x32x128xf32> to vector<32x128xf32>
    %get3A_29 = arith.constant 1 : index
    %get3A_30 = arith.constant 1 : index
    %get3A_31 = arith.constant 0 : index
    %get3A_32 = arith.constant 0 : index
    %get3A_33 = vector.load %arg1[%get3A_29, %get3A_30, %get3A_31, %get3A_32] : memref<4x3x32x128xf32, #tpu.memory_space<vmem>>, vector<1x1x32x128xf32>
    %get3A_34 = vector.shape_cast %get3A_33 : vector<1x1x32x128xf32> to vector<32x128xf32>
    %get3A_35 = arith.constant 2 : index
    %get3A_36 = arith.constant 1 : index
    %get3A_37 = arith.constant 0 : index
    %get3A_38 = arith.constant 0 : index
    %get3A_39 = vector.load %arg1[%get3A_35, %get3A_36, %get3A_37, %get3A_38] : memref<4x3x32x128xf32, #tpu.memory_space<vmem>>, vector<1x1x32x128xf32>
    %get3A_40 = vector.shape_cast %get3A_39 : vector<1x1x32x128xf32> to vector<32x128xf32>
    %get3A_41 = arith.constant 3 : index
    %get3A_42 = arith.constant 1 : index
    %get3A_43 = arith.constant 0 : index
    %get3A_44 = arith.constant 0 : index
    %get3A_45 = vector.load %arg1[%get3A_41, %get3A_42, %get3A_43, %get3A_44] : memref<4x3x32x128xf32, #tpu.memory_space<vmem>>, vector<1x1x32x128xf32>
    %get3A_46 = vector.shape_cast %get3A_45 : vector<1x1x32x128xf32> to vector<32x128xf32>
    %get3A_47 = arith.constant 0 : index
    %get3A_48 = arith.constant 2 : index
    %get3A_49 = arith.constant 0 : index
    %get3A_50 = arith.constant 0 : index
    %get3A_51 = vector.load %arg1[%get3A_47, %get3A_48, %get3A_49, %get3A_50] : memref<4x3x32x128xf32, #tpu.memory_space<vmem>>, vector<1x1x32x128xf32>
    %get3A_52 = vector.shape_cast %get3A_51 : vector<1x1x32x128xf32> to vector<32x128xf32>
    %get3A_53 = arith.constant 1 : index
    %get3A_54 = arith.constant 2 : index
    %get3A_55 = arith.constant 0 : index
    %get3A_56 = arith.constant 0 : index
    %get3A_57 = vector.load %arg1[%get3A_53, %get3A_54, %get3A_55, %get3A_56] : memref<4x3x32x128xf32, #tpu.memory_space<vmem>>, vector<1x1x32x128xf32>
    %get3A_58 = vector.shape_cast %get3A_57 : vector<1x1x32x128xf32> to vector<32x128xf32>
    %get3A_59 = arith.constant 2 : index
    %get3A_60 = arith.constant 2 : index
    %get3A_61 = arith.constant 0 : index
    %get3A_62 = arith.constant 0 : index
    %get3A_63 = vector.load %arg1[%get3A_59, %get3A_60, %get3A_61, %get3A_62] : memref<4x3x32x128xf32, #tpu.memory_space<vmem>>, vector<1x1x32x128xf32>
    %get3A_64 = vector.shape_cast %get3A_63 : vector<1x1x32x128xf32> to vector<32x128xf32>
    %get3A_65 = arith.constant 3 : index
    %get3A_66 = arith.constant 2 : index
    %get3A_67 = arith.constant 0 : index
    %get3A_68 = arith.constant 0 : index
    %get3A_69 = vector.load %arg1[%get3A_65, %get3A_66, %get3A_67, %get3A_68] : memref<4x3x32x128xf32, #tpu.memory_space<vmem>>, vector<1x1x32x128xf32>
    %get3A_70 = vector.shape_cast %get3A_69 : vector<1x1x32x128xf32> to vector<32x128xf32>
    %iota3A = tpu.iota {dimensions = array<i32: 0>} : vector<32x128xi32>
    %mul3A = arith.constant 128 : i32
    %mul3A_71 = vector.broadcast %mul3A : i32 to vector<32x128xi32>
    %mul3A_72 = arith.muli %iota3A, %mul3A_71 : vector<32x128xi32>
    %iota3A_73 = tpu.iota {dimensions = array<i32: 1>} : vector<32x128xi32>
    %add3A = arith.addi %mul3A_72, %iota3A_73 : vector<32x128xi32>
    %broadcast_in_dim3A = arith.constant 1.000000e+10 : f32
    %broadcast_in_dim3A_74 = vector.broadcast %broadcast_in_dim3A : f32 to vector<32x128xf32>
    %broadcast_in_dim3A_75 = arith.constant 0 : i32
    %broadcast_in_dim3A_76 = vector.broadcast %broadcast_in_dim3A_75 : i32 to vector<1x1xi32>
    %scan3A = arith.constant 0 : i32
    %scan3A_77 = arith.constant 512 : i32
    %scan3A_78 = arith.addi %scan3A, %scan3A_77 : i32
    %scan3A_79 = arith.constant 1 : i32
    %scan3A_80:8 = scf.for %scan3A_82 = %scan3A to %scan3A_78 step %scan3A_79 iter_args(%scan3A_83 = %broadcast_in_dim3A_74, %scan3A_84 = %broadcast_in_dim3A_76, %scan3A_85 = %broadcast_in_dim3A_74, %scan3A_86 = %broadcast_in_dim3A_76, %scan3A_87 = %broadcast_in_dim3A_74, %scan3A_88 = %broadcast_in_dim3A_76, %scan3A_89 = %broadcast_in_dim3A_74, %scan3A_90 = %broadcast_in_dim3A_76) -> (vector<32x128xf32>, vector<1x1xi32>, vector<32x128xf32>, vector<1x1xi32>, vector<32x128xf32>, vector<1x1xi32>, vector<32x128xf32>, vector<1x1xi32>)  : i32 {
      %eq3A = vector.broadcast %scan3A_84 : vector<1x1xi32> to vector<32x128xi32>
      %eq3A_91 = arith.cmpi eq, %add3A, %eq3A : vector<32x128xi32>
      %jit3A = arith.constant 0.000000e+00 : f32
      %broadcast_in_dim3A_92 = vector.broadcast %jit3A : f32 to vector<32x128xf32>
      %select_n3A = arith.select %eq3A_91, %get3A_4, %broadcast_in_dim3A_92 : vector<32x128xi1>, vector<32x128xf32>
      %reduce_sum3A = vector.shape_cast %select_n3A : vector<32x128xf32> to vector<1x32x128xf32>
      %reduce_sum3A_93 = arith.constant dense<0.000000e+00> : vector<1xf32>
      %reduce_sum3A_94 = vector.multi_reduction <add>, %reduce_sum3A, %reduce_sum3A_93 [1, 2] : vector<1x32x128xf32> to vector<1xf32>
      %reduce_sum3A_95 = vector.shape_cast %reduce_sum3A_94 : vector<1xf32> to vector<1x1x1xf32>
      %reduce_sum3A_96 = vector.extract %reduce_sum3A_95[0, 0, 0] : f32 from vector<1x1x1xf32>
      %broadcast_in_dim3A_97 = vector.broadcast %reduce_sum3A_96 : f32 to vector<1x1xf32>
      %jit3A_98 = arith.constant 0.000000e+00 : f32
      %broadcast_in_dim3A_99 = vector.broadcast %jit3A_98 : f32 to vector<32x128xf32>
      %select_n3A_100 = arith.select %eq3A_91, %get3A_28, %broadcast_in_dim3A_99 : vector<32x128xi1>, vector<32x128xf32>
      %reduce_sum3A_101 = vector.shape_cast %select_n3A_100 : vector<32x128xf32> to vector<1x32x128xf32>
      %reduce_sum3A_102 = arith.constant dense<0.000000e+00> : vector<1xf32>
      %reduce_sum3A_103 = vector.multi_reduction <add>, %reduce_sum3A_101, %reduce_sum3A_102 [1, 2] : vector<1x32x128xf32> to vector<1xf32>
      %reduce_sum3A_104 = vector.shape_cast %reduce_sum3A_103 : vector<1xf32> to vector<1x1x1xf32>
      %reduce_sum3A_105 = vector.extract %reduce_sum3A_104[0, 0, 0] : f32 from vector<1x1x1xf32>
      %broadcast_in_dim3A_106 = vector.broadcast %reduce_sum3A_105 : f32 to vector<1x1xf32>
      %jit3A_107 = arith.constant 0.000000e+00 : f32
      %broadcast_in_dim3A_108 = vector.broadcast %jit3A_107 : f32 to vector<32x128xf32>
      %select_n3A_109 = arith.select %eq3A_91, %get3A_52, %broadcast_in_dim3A_108 : vector<32x128xi1>, vector<32x128xf32>
      %reduce_sum3A_110 = vector.shape_cast %select_n3A_109 : vector<32x128xf32> to vector<1x32x128xf32>
      %reduce_sum3A_111 = arith.constant dense<0.000000e+00> : vector<1xf32>
      %reduce_sum3A_112 = vector.multi_reduction <add>, %reduce_sum3A_110, %reduce_sum3A_111 [1, 2] : vector<1x32x128xf32> to vector<1xf32>
      %reduce_sum3A_113 = vector.shape_cast %reduce_sum3A_112 : vector<1xf32> to vector<1x1x1xf32>
      %reduce_sum3A_114 = vector.extract %reduce_sum3A_113[0, 0, 0] : f32 from vector<1x1x1xf32>
      %broadcast_in_dim3A_115 = vector.broadcast %reduce_sum3A_114 : f32 to vector<1x1xf32>
      %concatenate3A = tpu.concatenate %broadcast_in_dim3A_97, %broadcast_in_dim3A_106, %broadcast_in_dim3A_115 in 1 : vector<1x1xf32>, vector<1x1xf32>, vector<1x1xf32> -> vector<1x3xf32>
      %swap3A = arith.constant 0 : index
      %swap3A_116 = arith.index_cast %scan3A_82 : i32 to index
      %swap3A_117 = arith.constant 0 : index
      %swap3A_118 = vector.load %arg2[%swap3A, %swap3A_116, %swap3A_117] : memref<4x512x3xf32, #tpu.memory_space<vmem>>, vector<1x1x3xf32>
      %swap3A_119 = vector.shape_cast %swap3A_118 : vector<1x1x3xf32> to vector<1x3xf32>
      %swap3A_120 = vector.shape_cast %concatenate3A : vector<1x3xf32> to vector<1x1x3xf32>
      tpu.vector_store %arg2[%swap3A, %swap3A_116, %swap3A_117], %swap3A_120 {strides = array<i32>} : memref<4x512x3xf32, #tpu.memory_space<vmem>>, vector<1x1x3xf32>,
      %sub3A = vector.broadcast %broadcast_in_dim3A_97 : vector<1x1xf32> to vector<32x128xf32>
      %sub3A_121 = arith.subf %get3A_4, %sub3A : vector<32x128xf32>
      %sub3A_122 = vector.broadcast %broadcast_in_dim3A_106 : vector<1x1xf32> to vector<32x128xf32>
      %sub3A_123 = arith.subf %get3A_28, %sub3A_122 : vector<32x128xf32>
      %sub3A_124 = vector.broadcast %broadcast_in_dim3A_115 : vector<1x1xf32> to vector<32x128xf32>
      %sub3A_125 = arith.subf %get3A_52, %sub3A_124 : vector<32x128xf32>
      %mul3A_126 = arith.mulf %sub3A_121, %sub3A_121 : vector<32x128xf32>
      %mul3A_127 = arith.mulf %sub3A_125, %sub3A_125 : vector<32x128xf32>
      %add3A_128 = arith.addf %mul3A_126, %mul3A_127 : vector<32x128xf32>
      %mul3A_129 = arith.mulf %sub3A_123, %sub3A_123 : vector<32x128xf32>
      %add3A_130 = arith.addf %add3A_128, %mul3A_129 : vector<32x128xf32>
      %min3A = arith.minimumf %scan3A_83, %add3A_130 : vector<32x128xf32>
      %reduce_max3A = vector.shape_cast %min3A : vector<32x128xf32> to vector<1x32x128xf32>
      %reduce_max3A_131 = arith.constant dense<0xFF800000> : vector<1xf32>
      %reduce_max3A_132 = vector.multi_reduction <maximumf>, %reduce_max3A, %reduce_max3A_131 [1, 2] : vector<1x32x128xf32> to vector<1xf32>
      %reduce_max3A_133 = vector.shape_cast %reduce_max3A_132 : vector<1xf32> to vector<1x1x1xf32>
      %reduce_max3A_134 = vector.extract %reduce_max3A_133[0, 0, 0] : f32 from vector<1x1x1xf32>
      %broadcast_in_dim3A_135 = vector.broadcast %reduce_max3A_134 : f32 to vector<1x1xf32>
      %eq3A_136 = vector.broadcast %broadcast_in_dim3A_135 : vector<1x1xf32> to vector<32x128xf32>
      %eq3A_137 = arith.cmpf oeq, %min3A, %eq3A_136 : vector<32x128xf32>
      %jit3A_138 = arith.constant 4096 : i32
      %broadcast_in_dim3A_139 = vector.broadcast %jit3A_138 : i32 to vector<32x128xi32>
      %select_n3A_140 = arith.select %eq3A_137, %add3A, %broadcast_in_dim3A_139 : vector<32x128xi1>, vector<32x128xi32>
      %reduce_min3A = vector.shape_cast %select_n3A_140 : vector<32x128xi32> to vector<1x32x128xi32>
      %reduce_min3A_141 = arith.constant dense<2147483647> : vector<1xi32>
      %reduce_min3A_142 = vector.multi_reduction <minsi>, %reduce_min3A, %reduce_min3A_141 [1, 2] : vector<1x32x128xi32> to vector<1xi32>
      %reduce_min3A_143 = vector.shape_cast %reduce_min3A_142 : vector<1xi32> to vector<1x1x1xi32>
      %reduce_min3A_144 = vector.extract %reduce_min3A_143[0, 0, 0] : i32 from vector<1x1x1xi32>
      %broadcast_in_dim3A_145 = vector.broadcast %reduce_min3A_144 : i32 to vector<1x1xi32>
      %eq3A_146 = vector.broadcast %scan3A_86 : vector<1x1xi32> to vector<32x128xi32>
      %eq3A_147 = arith.cmpi eq, %add3A, %eq3A_146 : vector<32x128xi32>
      %jit3A_148 = arith.constant 0.000000e+00 : f32
      %broadcast_in_dim3A_149 = vector.broadcast %jit3A_148 : f32 to vector<32x128xf32>
      %select_n3A_150 = arith.select %eq3A_147, %get3A_10, %broadcast_in_dim3A_149 : vector<32x128xi1>, vector<32x128xf32>
      %reduce_sum3A_151 = vector.shape_cast %select_n3A_150 : vector<32x128xf32> to vector<1x32x128xf32>
      %reduce_sum3A_152 = arith.constant dense<0.000000e+00> : vector<1xf32>
      %reduce_sum3A_153 = vector.multi_reduction <add>, %reduce_sum3A_151, %reduce_sum3A_152 [1, 2] : vector<1x32x128xf32> to vector<1xf32>
      %reduce_sum3A_154 = vector.shape_cast %reduce_sum3A_153 : vector<1xf32> to vector<1x1x1xf32>
      %reduce_sum3A_155 = vector.extract %reduce_sum3A_154[0, 0, 0] : f32 from vector<1x1x1xf32>
      %broadcast_in_dim3A_156 = vector.broadcast %reduce_sum3A_155 : f32 to vector<1x1xf32>
      %jit3A_157 = arith.constant 0.000000e+00 : f32
      %broadcast_in_dim3A_158 = vector.broadcast %jit3A_157 : f32 to vector<32x128xf32>
      %select_n3A_159 = arith.select %eq3A_147, %get3A_34, %broadcast_in_dim3A_158 : vector<32x128xi1>, vector<32x128xf32>
      %reduce_sum3A_160 = vector.shape_cast %select_n3A_159 : vector<32x128xf32> to vector<1x32x128xf32>
      %reduce_sum3A_161 = arith.constant dense<0.000000e+00> : vector<1xf32>
      %reduce_sum3A_162 = vector.multi_reduction <add>, %reduce_sum3A_160, %reduce_sum3A_161 [1, 2] : vector<1x32x128xf32> to vector<1xf32>
      %reduce_sum3A_163 = vector.shape_cast %reduce_sum3A_162 : vector<1xf32> to vector<1x1x1xf32>
      %reduce_sum3A_164 = vector.extract %reduce_sum3A_163[0, 0, 0] : f32 from vector<1x1x1xf32>
      %broadcast_in_dim3A_165 = vector.broadcast %reduce_sum3A_164 : f32 to vector<1x1xf32>
      %jit3A_166 = arith.constant 0.000000e+00 : f32
      %broadcast_in_dim3A_167 = vector.broadcast %jit3A_166 : f32 to vector<32x128xf32>
      %select_n3A_168 = arith.select %eq3A_147, %get3A_58, %broadcast_in_dim3A_167 : vector<32x128xi1>, vector<32x128xf32>
      %reduce_sum3A_169 = vector.shape_cast %select_n3A_168 : vector<32x128xf32> to vector<1x32x128xf32>
      %reduce_sum3A_170 = arith.constant dense<0.000000e+00> : vector<1xf32>
      %reduce_sum3A_171 = vector.multi_reduction <add>, %reduce_sum3A_169, %reduce_sum3A_170 [1, 2] : vector<1x32x128xf32> to vector<1xf32>
      %reduce_sum3A_172 = vector.shape_cast %reduce_sum3A_171 : vector<1xf32> to vector<1x1x1xf32>
      %reduce_sum3A_173 = vector.extract %reduce_sum3A_172[0, 0, 0] : f32 from vector<1x1x1xf32>
      %broadcast_in_dim3A_174 = vector.broadcast %reduce_sum3A_173 : f32 to vector<1x1xf32>
      %concatenate3A_175 = tpu.concatenate %broadcast_in_dim3A_156, %broadcast_in_dim3A_165, %broadcast_in_dim3A_174 in 1 : vector<1x1xf32>, vector<1x1xf32>, vector<1x1xf32> -> vector<1x3xf32>
      %swap3A_176 = arith.constant 1 : index
      %swap3A_177 = arith.index_cast %scan3A_82 : i32 to index
      %swap3A_178 = arith.constant 0 : index
      %swap3A_179 = vector.load %arg2[%swap3A_176, %swap3A_177, %swap3A_178] : memref<4x512x3xf32, #tpu.memory_space<vmem>>, vector<1x1x3xf32>
      %swap3A_180 = vector.shape_cast %swap3A_179 : vector<1x1x3xf32> to vector<1x3xf32>
      %swap3A_181 = vector.shape_cast %concatenate3A_175 : vector<1x3xf32> to vector<1x1x3xf32>
      tpu.vector_store %arg2[%swap3A_176, %swap3A_177, %swap3A_178], %swap3A_181 {strides = array<i32>} : memref<4x512x3xf32, #tpu.memory_space<vmem>>, vector<1x1x3xf32>,
      %sub3A_182 = vector.broadcast %broadcast_in_dim3A_156 : vector<1x1xf32> to vector<32x128xf32>
      %sub3A_183 = arith.subf %get3A_10, %sub3A_182 : vector<32x128xf32>
      %sub3A_184 = vector.broadcast %broadcast_in_dim3A_165 : vector<1x1xf32> to vector<32x128xf32>
      %sub3A_185 = arith.subf %get3A_34, %sub3A_184 : vector<32x128xf32>
      %sub3A_186 = vector.broadcast %broadcast_in_dim3A_174 : vector<1x1xf32> to vector<32x128xf32>
      %sub3A_187 = arith.subf %get3A_58, %sub3A_186 : vector<32x128xf32>
      %mul3A_188 = arith.mulf %sub3A_183, %sub3A_183 : vector<32x128xf32>
      %mul3A_189 = arith.mulf %sub3A_187, %sub3A_187 : vector<32x128xf32>
      %add3A_190 = arith.addf %mul3A_188, %mul3A_189 : vector<32x128xf32>
      %mul3A_191 = arith.mulf %sub3A_185, %sub3A_185 : vector<32x128xf32>
      %add3A_192 = arith.addf %add3A_190, %mul3A_191 : vector<32x128xf32>
      %min3A_193 = arith.minimumf %scan3A_85, %add3A_192 : vector<32x128xf32>
      %reduce_max3A_194 = vector.shape_cast %min3A_193 : vector<32x128xf32> to vector<1x32x128xf32>
      %reduce_max3A_195 = arith.constant dense<0xFF800000> : vector<1xf32>
      %reduce_max3A_196 = vector.multi_reduction <maximumf>, %reduce_max3A_194, %reduce_max3A_195 [1, 2] : vector<1x32x128xf32> to vector<1xf32>
      %reduce_max3A_197 = vector.shape_cast %reduce_max3A_196 : vector<1xf32> to vector<1x1x1xf32>
      %reduce_max3A_198 = vector.extract %reduce_max3A_197[0, 0, 0] : f32 from vector<1x1x1xf32>
      %broadcast_in_dim3A_199 = vector.broadcast %reduce_max3A_198 : f32 to vector<1x1xf32>
      %eq3A_200 = vector.broadcast %broadcast_in_dim3A_199 : vector<1x1xf32> to vector<32x128xf32>
      %eq3A_201 = arith.cmpf oeq, %min3A_193, %eq3A_200 : vector<32x128xf32>
      %jit3A_202 = arith.constant 4096 : i32
      %broadcast_in_dim3A_203 = vector.broadcast %jit3A_202 : i32 to vector<32x128xi32>
      %select_n3A_204 = arith.select %eq3A_201, %add3A, %broadcast_in_dim3A_203 : vector<32x128xi1>, vector<32x128xi32>
      %reduce_min3A_205 = vector.shape_cast %select_n3A_204 : vector<32x128xi32> to vector<1x32x128xi32>
      %reduce_min3A_206 = arith.constant dense<2147483647> : vector<1xi32>
      %reduce_min3A_207 = vector.multi_reduction <minsi>, %reduce_min3A_205, %reduce_min3A_206 [1, 2] : vector<1x32x128xi32> to vector<1xi32>
      %reduce_min3A_208 = vector.shape_cast %reduce_min3A_207 : vector<1xi32> to vector<1x1x1xi32>
      %reduce_min3A_209 = vector.extract %reduce_min3A_208[0, 0, 0] : i32 from vector<1x1x1xi32>
      %broadcast_in_dim3A_210 = vector.broadcast %reduce_min3A_209 : i32 to vector<1x1xi32>
      %eq3A_211 = vector.broadcast %scan3A_88 : vector<1x1xi32> to vector<32x128xi32>
      %eq3A_212 = arith.cmpi eq, %add3A, %eq3A_211 : vector<32x128xi32>
      %jit3A_213 = arith.constant 0.000000e+00 : f32
      %broadcast_in_dim3A_214 = vector.broadcast %jit3A_213 : f32 to vector<32x128xf32>
      %select_n3A_215 = arith.select %eq3A_212, %get3A_16, %broadcast_in_dim3A_214 : vector<32x128xi1>, vector<32x128xf32>
      %reduce_sum3A_216 = vector.shape_cast %select_n3A_215 : vector<32x128xf32> to vector<1x32x128xf32>
      %reduce_sum3A_217 = arith.constant dense<0.000000e+00> : vector<1xf32>
      %reduce_sum3A_218 = vector.multi_reduction <add>, %reduce_sum3A_216, %reduce_sum3A_217 [1, 2] : vector<1x32x128xf32> to vector<1xf32>
      %reduce_sum3A_219 = vector.shape_cast %reduce_sum3A_218 : vector<1xf32> to vector<1x1x1xf32>
      %reduce_sum3A_220 = vector.extract %reduce_sum3A_219[0, 0, 0] : f32 from vector<1x1x1xf32>
      %broadcast_in_dim3A_221 = vector.broadcast %reduce_sum3A_220 : f32 to vector<1x1xf32>
      %jit3A_222 = arith.constant 0.000000e+00 : f32
      %broadcast_in_dim3A_223 = vector.broadcast %jit3A_222 : f32 to vector<32x128xf32>
      %select_n3A_224 = arith.select %eq3A_212, %get3A_40, %broadcast_in_dim3A_223 : vector<32x128xi1>, vector<32x128xf32>
      %reduce_sum3A_225 = vector.shape_cast %select_n3A_224 : vector<32x128xf32> to vector<1x32x128xf32>
      %reduce_sum3A_226 = arith.constant dense<0.000000e+00> : vector<1xf32>
      %reduce_sum3A_227 = vector.multi_reduction <add>, %reduce_sum3A_225, %reduce_sum3A_226 [1, 2] : vector<1x32x128xf32> to vector<1xf32>
      %reduce_sum3A_228 = vector.shape_cast %reduce_sum3A_227 : vector<1xf32> to vector<1x1x1xf32>
      %reduce_sum3A_229 = vector.extract %reduce_sum3A_228[0, 0, 0] : f32 from vector<1x1x1xf32>
      %broadcast_in_dim3A_230 = vector.broadcast %reduce_sum3A_229 : f32 to vector<1x1xf32>
      %jit3A_231 = arith.constant 0.000000e+00 : f32
      %broadcast_in_dim3A_232 = vector.broadcast %jit3A_231 : f32 to vector<32x128xf32>
      %select_n3A_233 = arith.select %eq3A_212, %get3A_64, %broadcast_in_dim3A_232 : vector<32x128xi1>, vector<32x128xf32>
      %reduce_sum3A_234 = vector.shape_cast %select_n3A_233 : vector<32x128xf32> to vector<1x32x128xf32>
      %reduce_sum3A_235 = arith.constant dense<0.000000e+00> : vector<1xf32>
      %reduce_sum3A_236 = vector.multi_reduction <add>, %reduce_sum3A_234, %reduce_sum3A_235 [1, 2] : vector<1x32x128xf32> to vector<1xf32>
      %reduce_sum3A_237 = vector.shape_cast %reduce_sum3A_236 : vector<1xf32> to vector<1x1x1xf32>
      %reduce_sum3A_238 = vector.extract %reduce_sum3A_237[0, 0, 0] : f32 from vector<1x1x1xf32>
      %broadcast_in_dim3A_239 = vector.broadcast %reduce_sum3A_238 : f32 to vector<1x1xf32>
      %concatenate3A_240 = tpu.concatenate %broadcast_in_dim3A_221, %broadcast_in_dim3A_230, %broadcast_in_dim3A_239 in 1 : vector<1x1xf32>, vector<1x1xf32>, vector<1x1xf32> -> vector<1x3xf32>
      %swap3A_241 = arith.constant 2 : index
      %swap3A_242 = arith.index_cast %scan3A_82 : i32 to index
      %swap3A_243 = arith.constant 0 : index
      %swap3A_244 = vector.load %arg2[%swap3A_241, %swap3A_242, %swap3A_243] : memref<4x512x3xf32, #tpu.memory_space<vmem>>, vector<1x1x3xf32>
      %swap3A_245 = vector.shape_cast %swap3A_244 : vector<1x1x3xf32> to vector<1x3xf32>
      %swap3A_246 = vector.shape_cast %concatenate3A_240 : vector<1x3xf32> to vector<1x1x3xf32>
      tpu.vector_store %arg2[%swap3A_241, %swap3A_242, %swap3A_243], %swap3A_246 {strides = array<i32>} : memref<4x512x3xf32, #tpu.memory_space<vmem>>, vector<1x1x3xf32>,
      %sub3A_247 = vector.broadcast %broadcast_in_dim3A_221 : vector<1x1xf32> to vector<32x128xf32>
      %sub3A_248 = arith.subf %get3A_16, %sub3A_247 : vector<32x128xf32>
      %sub3A_249 = vector.broadcast %broadcast_in_dim3A_230 : vector<1x1xf32> to vector<32x128xf32>
      %sub3A_250 = arith.subf %get3A_40, %sub3A_249 : vector<32x128xf32>
      %sub3A_251 = vector.broadcast %broadcast_in_dim3A_239 : vector<1x1xf32> to vector<32x128xf32>
      %sub3A_252 = arith.subf %get3A_64, %sub3A_251 : vector<32x128xf32>
      %mul3A_253 = arith.mulf %sub3A_248, %sub3A_248 : vector<32x128xf32>
      %mul3A_254 = arith.mulf %sub3A_252, %sub3A_252 : vector<32x128xf32>
      %add3A_255 = arith.addf %mul3A_253, %mul3A_254 : vector<32x128xf32>
      %mul3A_256 = arith.mulf %sub3A_250, %sub3A_250 : vector<32x128xf32>
      %add3A_257 = arith.addf %add3A_255, %mul3A_256 : vector<32x128xf32>
      %min3A_258 = arith.minimumf %scan3A_87, %add3A_257 : vector<32x128xf32>
      %reduce_max3A_259 = vector.shape_cast %min3A_258 : vector<32x128xf32> to vector<1x32x128xf32>
      %reduce_max3A_260 = arith.constant dense<0xFF800000> : vector<1xf32>
      %reduce_max3A_261 = vector.multi_reduction <maximumf>, %reduce_max3A_259, %reduce_max3A_260 [1, 2] : vector<1x32x128xf32> to vector<1xf32>
      %reduce_max3A_262 = vector.shape_cast %reduce_max3A_261 : vector<1xf32> to vector<1x1x1xf32>
      %reduce_max3A_263 = vector.extract %reduce_max3A_262[0, 0, 0] : f32 from vector<1x1x1xf32>
      %broadcast_in_dim3A_264 = vector.broadcast %reduce_max3A_263 : f32 to vector<1x1xf32>
      %eq3A_265 = vector.broadcast %broadcast_in_dim3A_264 : vector<1x1xf32> to vector<32x128xf32>
      %eq3A_266 = arith.cmpf oeq, %min3A_258, %eq3A_265 : vector<32x128xf32>
      %jit3A_267 = arith.constant 4096 : i32
      %broadcast_in_dim3A_268 = vector.broadcast %jit3A_267 : i32 to vector<32x128xi32>
      %select_n3A_269 = arith.select %eq3A_266, %add3A, %broadcast_in_dim3A_268 : vector<32x128xi1>, vector<32x128xi32>
      %reduce_min3A_270 = vector.shape_cast %select_n3A_269 : vector<32x128xi32> to vector<1x32x128xi32>
      %reduce_min3A_271 = arith.constant dense<2147483647> : vector<1xi32>
      %reduce_min3A_272 = vector.multi_reduction <minsi>, %reduce_min3A_270, %reduce_min3A_271 [1, 2] : vector<1x32x128xi32> to vector<1xi32>
      %reduce_min3A_273 = vector.shape_cast %reduce_min3A_272 : vector<1xi32> to vector<1x1x1xi32>
      %reduce_min3A_274 = vector.extract %reduce_min3A_273[0, 0, 0] : i32 from vector<1x1x1xi32>
      %broadcast_in_dim3A_275 = vector.broadcast %reduce_min3A_274 : i32 to vector<1x1xi32>
      %eq3A_276 = vector.broadcast %scan3A_90 : vector<1x1xi32> to vector<32x128xi32>
      %eq3A_277 = arith.cmpi eq, %add3A, %eq3A_276 : vector<32x128xi32>
      %jit3A_278 = arith.constant 0.000000e+00 : f32
      %broadcast_in_dim3A_279 = vector.broadcast %jit3A_278 : f32 to vector<32x128xf32>
      %select_n3A_280 = arith.select %eq3A_277, %get3A_22, %broadcast_in_dim3A_279 : vector<32x128xi1>, vector<32x128xf32>
      %reduce_sum3A_281 = vector.shape_cast %select_n3A_280 : vector<32x128xf32> to vector<1x32x128xf32>
      %reduce_sum3A_282 = arith.constant dense<0.000000e+00> : vector<1xf32>
      %reduce_sum3A_283 = vector.multi_reduction <add>, %reduce_sum3A_281, %reduce_sum3A_282 [1, 2] : vector<1x32x128xf32> to vector<1xf32>
      %reduce_sum3A_284 = vector.shape_cast %reduce_sum3A_283 : vector<1xf32> to vector<1x1x1xf32>
      %reduce_sum3A_285 = vector.extract %reduce_sum3A_284[0, 0, 0] : f32 from vector<1x1x1xf32>
      %broadcast_in_dim3A_286 = vector.broadcast %reduce_sum3A_285 : f32 to vector<1x1xf32>
      %jit3A_287 = arith.constant 0.000000e+00 : f32
      %broadcast_in_dim3A_288 = vector.broadcast %jit3A_287 : f32 to vector<32x128xf32>
      %select_n3A_289 = arith.select %eq3A_277, %get3A_46, %broadcast_in_dim3A_288 : vector<32x128xi1>, vector<32x128xf32>
      %reduce_sum3A_290 = vector.shape_cast %select_n3A_289 : vector<32x128xf32> to vector<1x32x128xf32>
      %reduce_sum3A_291 = arith.constant dense<0.000000e+00> : vector<1xf32>
      %reduce_sum3A_292 = vector.multi_reduction <add>, %reduce_sum3A_290, %reduce_sum3A_291 [1, 2] : vector<1x32x128xf32> to vector<1xf32>
      %reduce_sum3A_293 = vector.shape_cast %reduce_sum3A_292 : vector<1xf32> to vector<1x1x1xf32>
      %reduce_sum3A_294 = vector.extract %reduce_sum3A_293[0, 0, 0] : f32 from vector<1x1x1xf32>
      %broadcast_in_dim3A_295 = vector.broadcast %reduce_sum3A_294 : f32 to vector<1x1xf32>
      %jit3A_296 = arith.constant 0.000000e+00 : f32
      %broadcast_in_dim3A_297 = vector.broadcast %jit3A_296 : f32 to vector<32x128xf32>
      %select_n3A_298 = arith.select %eq3A_277, %get3A_70, %broadcast_in_dim3A_297 : vector<32x128xi1>, vector<32x128xf32>
      %reduce_sum3A_299 = vector.shape_cast %select_n3A_298 : vector<32x128xf32> to vector<1x32x128xf32>
      %reduce_sum3A_300 = arith.constant dense<0.000000e+00> : vector<1xf32>
      %reduce_sum3A_301 = vector.multi_reduction <add>, %reduce_sum3A_299, %reduce_sum3A_300 [1, 2] : vector<1x32x128xf32> to vector<1xf32>
      %reduce_sum3A_302 = vector.shape_cast %reduce_sum3A_301 : vector<1xf32> to vector<1x1x1xf32>
      %reduce_sum3A_303 = vector.extract %reduce_sum3A_302[0, 0, 0] : f32 from vector<1x1x1xf32>
      %broadcast_in_dim3A_304 = vector.broadcast %reduce_sum3A_303 : f32 to vector<1x1xf32>
      %concatenate3A_305 = tpu.concatenate %broadcast_in_dim3A_286, %broadcast_in_dim3A_295, %broadcast_in_dim3A_304 in 1 : vector<1x1xf32>, vector<1x1xf32>, vector<1x1xf32> -> vector<1x3xf32>
      %swap3A_306 = arith.constant 3 : index
      %swap3A_307 = arith.index_cast %scan3A_82 : i32 to index
      %swap3A_308 = arith.constant 0 : index
      %swap3A_309 = vector.load %arg2[%swap3A_306, %swap3A_307, %swap3A_308] : memref<4x512x3xf32, #tpu.memory_space<vmem>>, vector<1x1x3xf32>
      %swap3A_310 = vector.shape_cast %swap3A_309 : vector<1x1x3xf32> to vector<1x3xf32>
      %swap3A_311 = vector.shape_cast %concatenate3A_305 : vector<1x3xf32> to vector<1x1x3xf32>
      tpu.vector_store %arg2[%swap3A_306, %swap3A_307, %swap3A_308], %swap3A_311 {strides = array<i32>} : memref<4x512x3xf32, #tpu.memory_space<vmem>>, vector<1x1x3xf32>,
      %sub3A_312 = vector.broadcast %broadcast_in_dim3A_286 : vector<1x1xf32> to vector<32x128xf32>
      %sub3A_313 = arith.subf %get3A_22, %sub3A_312 : vector<32x128xf32>
      %sub3A_314 = vector.broadcast %broadcast_in_dim3A_295 : vector<1x1xf32> to vector<32x128xf32>
      %sub3A_315 = arith.subf %get3A_46, %sub3A_314 : vector<32x128xf32>
      %sub3A_316 = vector.broadcast %broadcast_in_dim3A_304 : vector<1x1xf32> to vector<32x128xf32>
      %sub3A_317 = arith.subf %get3A_70, %sub3A_316 : vector<32x128xf32>
      %mul3A_318 = arith.mulf %sub3A_313, %sub3A_313 : vector<32x128xf32>
      %mul3A_319 = arith.mulf %sub3A_317, %sub3A_317 : vector<32x128xf32>
      %add3A_320 = arith.addf %mul3A_318, %mul3A_319 : vector<32x128xf32>
      %mul3A_321 = arith.mulf %sub3A_315, %sub3A_315 : vector<32x128xf32>
      %add3A_322 = arith.addf %add3A_320, %mul3A_321 : vector<32x128xf32>
      %min3A_323 = arith.minimumf %scan3A_89, %add3A_322 : vector<32x128xf32>
      %reduce_max3A_324 = vector.shape_cast %min3A_323 : vector<32x128xf32> to vector<1x32x128xf32>
      %reduce_max3A_325 = arith.constant dense<0xFF800000> : vector<1xf32>
      %reduce_max3A_326 = vector.multi_reduction <maximumf>, %reduce_max3A_324, %reduce_max3A_325 [1, 2] : vector<1x32x128xf32> to vector<1xf32>
      %reduce_max3A_327 = vector.shape_cast %reduce_max3A_326 : vector<1xf32> to vector<1x1x1xf32>
      %reduce_max3A_328 = vector.extract %reduce_max3A_327[0, 0, 0] : f32 from vector<1x1x1xf32>
      %broadcast_in_dim3A_329 = vector.broadcast %reduce_max3A_328 : f32 to vector<1x1xf32>
      %eq3A_330 = vector.broadcast %broadcast_in_dim3A_329 : vector<1x1xf32> to vector<32x128xf32>
      %eq3A_331 = arith.cmpf oeq, %min3A_323, %eq3A_330 : vector<32x128xf32>
      %jit3A_332 = arith.constant 4096 : i32
      %broadcast_in_dim3A_333 = vector.broadcast %jit3A_332 : i32 to vector<32x128xi32>
      %select_n3A_334 = arith.select %eq3A_331, %add3A, %broadcast_in_dim3A_333 : vector<32x128xi1>, vector<32x128xi32>
      %reduce_min3A_335 = vector.shape_cast %select_n3A_334 : vector<32x128xi32> to vector<1x32x128xi32>
      %reduce_min3A_336 = arith.constant dense<2147483647> : vector<1xi32>
      %reduce_min3A_337 = vector.multi_reduction <minsi>, %reduce_min3A_335, %reduce_min3A_336 [1, 2] : vector<1x32x128xi32> to vector<1xi32>
      %reduce_min3A_338 = vector.shape_cast %reduce_min3A_337 : vector<1xi32> to vector<1x1x1xi32>
      %reduce_min3A_339 = vector.extract %reduce_min3A_338[0, 0, 0] : i32 from vector<1x1x1xi32>
      %broadcast_in_dim3A_340 = vector.broadcast %reduce_min3A_339 : i32 to vector<1x1xi32>
      scf.yield %min3A, %broadcast_in_dim3A_145, %min3A_193, %broadcast_in_dim3A_210, %min3A_258, %broadcast_in_dim3A_275, %min3A_323, %broadcast_in_dim3A_340 : vector<32x128xf32>, vector<1x1xi32>, vector<32x128xf32>, vector<1x1xi32>, vector<32x128xf32>, vector<1x1xi32>, vector<32x128xf32>, vector<1x1xi32>
    }
    %scan3A_81 = arith.constant 512 : i32
    return
  }
  func.func @transform_0(%arg0: i32) -> (i32, i32, i32, i32) {
    %c0_i32 = arith.constant 0 : i32
    %c0_i32_0 = arith.constant 0 : i32
    %c0_i32_1 = arith.constant 0 : i32
    %c0_i32_2 = arith.constant 0 : i32
    return %arg0, %c0_i32, %c0_i32_0, %c0_i32_1 : i32, i32, i32, i32
  }
  func.func @transform_1(%arg0: i32) -> (i32, i32, i32) {
    %c0_i32 = arith.constant 0 : i32
    %c0_i32_0 = arith.constant 0 : i32
    %c0_i32_1 = arith.constant 0 : i32
    return %arg0, %c0_i32, %c0_i32_0 : i32, i32, i32
  }
}

module attributes {stable_mosaic.version = 14 : i64} {
  func.func @_bq_kernel(%arg0: i32, %arg1: memref<1x512x3xf32, #tpu.memory_space<vmem>>, %arg2: memref<1x3x8x512xf32, #tpu.memory_space<vmem>>, %arg3: memref<512x512xf32, #tpu.memory_space<vmem>>, %arg4: memref<1x512x32xi32, #tpu.memory_space<vmem>>) attributes {dimension_semantics = [#tpu.dimension_semantics<parallel>], iteration_bounds = array<i64: 8>, scalar_prefetch = 0 : i64, scratch_operands = 0 : i64, tpu.core_type = #tpu.core_type<tc>, window_params = [{transform_indices = @transform_0, window_bounds = array<i64: 1, 512, 3>}, {transform_indices = @transform_1, window_bounds = array<i64: 1, 3, 8, 512>}, {pipeline_mode = #tpu.pipeline_mode<synchronous>, transform_indices = @transform_2, window_bounds = array<i64: 512, 512>}, {transform_indices = @transform_3, window_bounds = array<i64: 1, 512, 32>}]} {
    %get3A = arith.constant 0 : index
    %get3A_0 = arith.constant 0 : index
    %get3A_1 = arith.constant 0 : index
    %get3A_2 = vector.load %arg1[%get3A, %get3A_0, %get3A_1] : memref<1x512x3xf32, #tpu.memory_space<vmem>>, vector<1x512x3xf32>
    %get3A_3 = vector.shape_cast %get3A_2 : vector<1x512x3xf32> to vector<512x3xf32>
    %slice3A = vector.extract_strided_slice %get3A_3 {offsets = [0, 0], sizes = [512, 1], strides = [1, 1]} : vector<512x3xf32> to vector<512x1xf32>
    %slice3A_4 = vector.extract_strided_slice %get3A_3 {offsets = [0, 1], sizes = [512, 1], strides = [1, 1]} : vector<512x3xf32> to vector<512x1xf32>
    %slice3A_5 = vector.extract_strided_slice %get3A_3 {offsets = [0, 2], sizes = [512, 1], strides = [1, 1]} : vector<512x3xf32> to vector<512x1xf32>
    %mul3A = arith.mulf %slice3A, %slice3A : vector<512x1xf32>
    %mul3A_6 = arith.mulf %slice3A_4, %slice3A_4 : vector<512x1xf32>
    %add3A = arith.addf %mul3A, %mul3A_6 : vector<512x1xf32>
    %mul3A_7 = arith.mulf %slice3A_5, %slice3A_5 : vector<512x1xf32>
    %add3A_8 = arith.addf %add3A, %mul3A_7 : vector<512x1xf32>
    %get3A_9 = arith.constant 0 : index
    %get3A_10 = arith.constant 0 : index
    %get3A_11 = vector.load %arg3[%get3A_9, %get3A_10] : memref<512x512xf32, #tpu.memory_space<vmem>>, vector<512x512xf32>
    %broadcast_in_dim3A = arith.constant 0.000000e+00 : f32
    %broadcast_in_dim3A_12 = vector.broadcast %broadcast_in_dim3A : f32 to vector<512x32xf32>
    %broadcast_in_dim3A_13 = arith.constant 0.000000e+00 : f32
    %broadcast_in_dim3A_14 = vector.broadcast %broadcast_in_dim3A_13 : f32 to vector<512x1xf32>
    %scan3A = arith.constant 0 : i32
    %scan3A_15 = arith.constant 8 : i32
    %scan3A_16 = arith.addi %scan3A, %scan3A_15 : i32
    %scan3A_17 = arith.constant 1 : i32
    %scan3A_18:2 = scf.for %scan3A_37 = %scan3A to %scan3A_16 step %scan3A_17 iter_args(%scan3A_38 = %broadcast_in_dim3A_12, %scan3A_39 = %broadcast_in_dim3A_14) -> (vector<512x32xf32>, vector<512x1xf32>)  : i32 {
      %get3A_40 = arith.constant 0 : index
      %get3A_41 = arith.constant 0 : index
      %get3A_42 = arith.index_cast %scan3A_37 : i32 to index
      %get3A_43 = arith.constant 0 : index
      %get3A_44 = vector.load %arg2[%get3A_40, %get3A_41, %get3A_42, %get3A_43] : memref<1x3x8x512xf32, #tpu.memory_space<vmem>>, vector<1x3x1x512xf32>
      %get3A_45 = vector.shape_cast %get3A_44 : vector<1x3x1x512xf32> to vector<3x512xf32>
      %slice3A_46 = vector.extract_strided_slice %get3A_45 {offsets = [0, 0], sizes = [1, 512], strides = [1, 1]} : vector<3x512xf32> to vector<1x512xf32>
      %slice3A_47 = vector.extract_strided_slice %get3A_45 {offsets = [1, 0], sizes = [1, 512], strides = [1, 1]} : vector<3x512xf32> to vector<1x512xf32>
      %slice3A_48 = vector.extract_strided_slice %get3A_45 {offsets = [2, 0], sizes = [1, 512], strides = [1, 1]} : vector<3x512xf32> to vector<1x512xf32>
      %mul3A_49 = arith.mulf %slice3A_46, %slice3A_46 : vector<1x512xf32>
      %mul3A_50 = arith.mulf %slice3A_47, %slice3A_47 : vector<1x512xf32>
      %add3A_51 = arith.addf %mul3A_49, %mul3A_50 : vector<1x512xf32>
      %mul3A_52 = arith.mulf %slice3A_48, %slice3A_48 : vector<1x512xf32>
      %add3A_53 = arith.addf %add3A_51, %mul3A_52 : vector<1x512xf32>
      %dot_general3A = arith.constant dense<0.000000e+00> : vector<512x512xf32>
      %dot_general3A_54 = tpu.matmul %get3A_3, %get3A_45, %dot_general3A {dimension_numbers = #tpu.dot_dimension_numbers<[1], [0], [0], [1], [0, 0, 1, 1], [], []>, transpose_lhs_hint = false} : vector<512x3xf32>, vector<3x512xf32>, vector<512x512xf32> -> vector<512x512xf32>
      %add3A_55 = vector.broadcast %add3A_8 : vector<512x1xf32> to vector<512x512xf32>
      %add3A_56 = vector.broadcast %add3A_53 : vector<1x512xf32> to vector<512x512xf32>
      %add3A_57 = arith.addf %add3A_55, %add3A_56 : vector<512x512xf32>
      %mul3A_58 = arith.constant 2.000000e+00 : f32
      %mul3A_59 = vector.broadcast %mul3A_58 : f32 to vector<512x512xf32>
      %mul3A_60 = arith.mulf %mul3A_59, %dot_general3A_54 : vector<512x512xf32>
      %sub3A = arith.subf %add3A_57, %mul3A_60 : vector<512x512xf32>
      %le3A = arith.constant 4.000000e-02 : f32
      %le3A_61 = vector.broadcast %le3A : f32 to vector<512x512xf32>
      %le3A_62 = arith.cmpf ole, %sub3A, %le3A_61 : vector<512x512xf32>
      %jit3A_63 = arith.constant 1.000000e+00 : f32
      %jit3A_64 = arith.constant 0.000000e+00 : f32
      %broadcast_in_dim3A_65 = vector.broadcast %jit3A_63 : f32 to vector<512x512xf32>
      %broadcast_in_dim3A_66 = vector.broadcast %jit3A_64 : f32 to vector<512x512xf32>
      %select_n3A_67 = arith.select %le3A_62, %broadcast_in_dim3A_65, %broadcast_in_dim3A_66 : vector<512x512xi1>, vector<512x512xf32>
      %dot_general3A_68 = arith.constant dense<0.000000e+00> : vector<512x512xf32>
      %dot_general3A_69 = tpu.matmul %select_n3A_67, %get3A_11, %dot_general3A_68 {dimension_numbers = #tpu.dot_dimension_numbers<[1], [0], [0], [1], [0, 0, 1, 1], [], []>, precision = #tpu.contract_precision<fp32>, transpose_lhs_hint = false} : vector<512x512xf32>, vector<512x512xf32>, vector<512x512xf32> -> vector<512x512xf32>
      %add3A_70 = vector.broadcast %scan3A_39 : vector<512x1xf32> to vector<512x512xf32>
      %add3A_71 = arith.addf %add3A_70, %dot_general3A_69 : vector<512x512xf32>
      %le3A_72 = arith.constant 0.000000e+00 : f32
      %le3A_73 = vector.broadcast %le3A_72 : f32 to vector<512x512xf32>
      %le3A_74 = arith.cmpf ole, %add3A_71, %le3A_73 : vector<512x512xf32>
      %jit3A_75 = arith.constant 1.000000e+00 : f32
      %jit3A_76 = arith.constant 0.000000e+00 : f32
      %broadcast_in_dim3A_77 = vector.broadcast %jit3A_75 : f32 to vector<512x512xf32>
      %broadcast_in_dim3A_78 = vector.broadcast %jit3A_76 : f32 to vector<512x512xf32>
      %select_n3A_79 = arith.select %le3A_74, %broadcast_in_dim3A_77, %broadcast_in_dim3A_78 : vector<512x512xi1>, vector<512x512xf32>
      %reduce_sum3A = arith.constant dense<0.000000e+00> : vector<512xf32>
      %reduce_sum3A_80 = vector.multi_reduction <add>, %select_n3A_79, %reduce_sum3A [1] : vector<512x512xf32> to vector<512xf32>
      %broadcast_in_dim3A_81 = vector.shape_cast %reduce_sum3A_80 : vector<512xf32> to vector<512x1xf32>
      %le3A_82 = arith.constant 1.000000e+00 : f32
      %le3A_83 = vector.broadcast %le3A_82 : f32 to vector<512x512xf32>
      %le3A_84 = arith.cmpf ole, %add3A_71, %le3A_83 : vector<512x512xf32>
      %jit3A_85 = arith.constant 1.000000e+00 : f32
      %jit3A_86 = arith.constant 0.000000e+00 : f32
      %broadcast_in_dim3A_87 = vector.broadcast %jit3A_85 : f32 to vector<512x512xf32>
      %broadcast_in_dim3A_88 = vector.broadcast %jit3A_86 : f32 to vector<512x512xf32>
      %select_n3A_89 = arith.select %le3A_84, %broadcast_in_dim3A_87, %broadcast_in_dim3A_88 : vector<512x512xi1>, vector<512x512xf32>
      %reduce_sum3A_90 = arith.constant dense<0.000000e+00> : vector<512xf32>
      %reduce_sum3A_91 = vector.multi_reduction <add>, %select_n3A_89, %reduce_sum3A_90 [1] : vector<512x512xf32> to vector<512xf32>
      %broadcast_in_dim3A_92 = vector.shape_cast %reduce_sum3A_91 : vector<512xf32> to vector<512x1xf32>
      %le3A_93 = arith.constant 2.000000e+00 : f32
      %le3A_94 = vector.broadcast %le3A_93 : f32 to vector<512x512xf32>
      %le3A_95 = arith.cmpf ole, %add3A_71, %le3A_94 : vector<512x512xf32>
      %jit3A_96 = arith.constant 1.000000e+00 : f32
      %jit3A_97 = arith.constant 0.000000e+00 : f32
      %broadcast_in_dim3A_98 = vector.broadcast %jit3A_96 : f32 to vector<512x512xf32>
      %broadcast_in_dim3A_99 = vector.broadcast %jit3A_97 : f32 to vector<512x512xf32>
      %select_n3A_100 = arith.select %le3A_95, %broadcast_in_dim3A_98, %broadcast_in_dim3A_99 : vector<512x512xi1>, vector<512x512xf32>
      %reduce_sum3A_101 = arith.constant dense<0.000000e+00> : vector<512xf32>
      %reduce_sum3A_102 = vector.multi_reduction <add>, %select_n3A_100, %reduce_sum3A_101 [1] : vector<512x512xf32> to vector<512xf32>
      %broadcast_in_dim3A_103 = vector.shape_cast %reduce_sum3A_102 : vector<512xf32> to vector<512x1xf32>
      %le3A_104 = arith.constant 3.000000e+00 : f32
      %le3A_105 = vector.broadcast %le3A_104 : f32 to vector<512x512xf32>
      %le3A_106 = arith.cmpf ole, %add3A_71, %le3A_105 : vector<512x512xf32>
      %jit3A_107 = arith.constant 1.000000e+00 : f32
      %jit3A_108 = arith.constant 0.000000e+00 : f32
      %broadcast_in_dim3A_109 = vector.broadcast %jit3A_107 : f32 to vector<512x512xf32>
      %broadcast_in_dim3A_110 = vector.broadcast %jit3A_108 : f32 to vector<512x512xf32>
      %select_n3A_111 = arith.select %le3A_106, %broadcast_in_dim3A_109, %broadcast_in_dim3A_110 : vector<512x512xi1>, vector<512x512xf32>
      %reduce_sum3A_112 = arith.constant dense<0.000000e+00> : vector<512xf32>
      %reduce_sum3A_113 = vector.multi_reduction <add>, %select_n3A_111, %reduce_sum3A_112 [1] : vector<512x512xf32> to vector<512xf32>
      %broadcast_in_dim3A_114 = vector.shape_cast %reduce_sum3A_113 : vector<512xf32> to vector<512x1xf32>
      %le3A_115 = arith.constant 4.000000e+00 : f32
      %le3A_116 = vector.broadcast %le3A_115 : f32 to vector<512x512xf32>
      %le3A_117 = arith.cmpf ole, %add3A_71, %le3A_116 : vector<512x512xf32>
      %jit3A_118 = arith.constant 1.000000e+00 : f32
      %jit3A_119 = arith.constant 0.000000e+00 : f32
      %broadcast_in_dim3A_120 = vector.broadcast %jit3A_118 : f32 to vector<512x512xf32>
      %broadcast_in_dim3A_121 = vector.broadcast %jit3A_119 : f32 to vector<512x512xf32>
      %select_n3A_122 = arith.select %le3A_117, %broadcast_in_dim3A_120, %broadcast_in_dim3A_121 : vector<512x512xi1>, vector<512x512xf32>
      %reduce_sum3A_123 = arith.constant dense<0.000000e+00> : vector<512xf32>
      %reduce_sum3A_124 = vector.multi_reduction <add>, %select_n3A_122, %reduce_sum3A_123 [1] : vector<512x512xf32> to vector<512xf32>
      %broadcast_in_dim3A_125 = vector.shape_cast %reduce_sum3A_124 : vector<512xf32> to vector<512x1xf32>
      %le3A_126 = arith.constant 5.000000e+00 : f32
      %le3A_127 = vector.broadcast %le3A_126 : f32 to vector<512x512xf32>
      %le3A_128 = arith.cmpf ole, %add3A_71, %le3A_127 : vector<512x512xf32>
      %jit3A_129 = arith.constant 1.000000e+00 : f32
      %jit3A_130 = arith.constant 0.000000e+00 : f32
      %broadcast_in_dim3A_131 = vector.broadcast %jit3A_129 : f32 to vector<512x512xf32>
      %broadcast_in_dim3A_132 = vector.broadcast %jit3A_130 : f32 to vector<512x512xf32>
      %select_n3A_133 = arith.select %le3A_128, %broadcast_in_dim3A_131, %broadcast_in_dim3A_132 : vector<512x512xi1>, vector<512x512xf32>
      %reduce_sum3A_134 = arith.constant dense<0.000000e+00> : vector<512xf32>
      %reduce_sum3A_135 = vector.multi_reduction <add>, %select_n3A_133, %reduce_sum3A_134 [1] : vector<512x512xf32> to vector<512xf32>
      %broadcast_in_dim3A_136 = vector.shape_cast %reduce_sum3A_135 : vector<512xf32> to vector<512x1xf32>
      %le3A_137 = arith.constant 6.000000e+00 : f32
      %le3A_138 = vector.broadcast %le3A_137 : f32 to vector<512x512xf32>
      %le3A_139 = arith.cmpf ole, %add3A_71, %le3A_138 : vector<512x512xf32>
      %jit3A_140 = arith.constant 1.000000e+00 : f32
      %jit3A_141 = arith.constant 0.000000e+00 : f32
      %broadcast_in_dim3A_142 = vector.broadcast %jit3A_140 : f32 to vector<512x512xf32>
      %broadcast_in_dim3A_143 = vector.broadcast %jit3A_141 : f32 to vector<512x512xf32>
      %select_n3A_144 = arith.select %le3A_139, %broadcast_in_dim3A_142, %broadcast_in_dim3A_143 : vector<512x512xi1>, vector<512x512xf32>
      %reduce_sum3A_145 = arith.constant dense<0.000000e+00> : vector<512xf32>
      %reduce_sum3A_146 = vector.multi_reduction <add>, %select_n3A_144, %reduce_sum3A_145 [1] : vector<512x512xf32> to vector<512xf32>
      %broadcast_in_dim3A_147 = vector.shape_cast %reduce_sum3A_146 : vector<512xf32> to vector<512x1xf32>
      %le3A_148 = arith.constant 7.000000e+00 : f32
      %le3A_149 = vector.broadcast %le3A_148 : f32 to vector<512x512xf32>
      %le3A_150 = arith.cmpf ole, %add3A_71, %le3A_149 : vector<512x512xf32>
      %jit3A_151 = arith.constant 1.000000e+00 : f32
      %jit3A_152 = arith.constant 0.000000e+00 : f32
      %broadcast_in_dim3A_153 = vector.broadcast %jit3A_151 : f32 to vector<512x512xf32>
      %broadcast_in_dim3A_154 = vector.broadcast %jit3A_152 : f32 to vector<512x512xf32>
      %select_n3A_155 = arith.select %le3A_150, %broadcast_in_dim3A_153, %broadcast_in_dim3A_154 : vector<512x512xi1>, vector<512x512xf32>
      %reduce_sum3A_156 = arith.constant dense<0.000000e+00> : vector<512xf32>
      %reduce_sum3A_157 = vector.multi_reduction <add>, %select_n3A_155, %reduce_sum3A_156 [1] : vector<512x512xf32> to vector<512xf32>
      %broadcast_in_dim3A_158 = vector.shape_cast %reduce_sum3A_157 : vector<512xf32> to vector<512x1xf32>
      %le3A_159 = arith.constant 8.000000e+00 : f32
      %le3A_160 = vector.broadcast %le3A_159 : f32 to vector<512x512xf32>
      %le3A_161 = arith.cmpf ole, %add3A_71, %le3A_160 : vector<512x512xf32>
      %jit3A_162 = arith.constant 1.000000e+00 : f32
      %jit3A_163 = arith.constant 0.000000e+00 : f32
      %broadcast_in_dim3A_164 = vector.broadcast %jit3A_162 : f32 to vector<512x512xf32>
      %broadcast_in_dim3A_165 = vector.broadcast %jit3A_163 : f32 to vector<512x512xf32>
      %select_n3A_166 = arith.select %le3A_161, %broadcast_in_dim3A_164, %broadcast_in_dim3A_165 : vector<512x512xi1>, vector<512x512xf32>
      %reduce_sum3A_167 = arith.constant dense<0.000000e+00> : vector<512xf32>
      %reduce_sum3A_168 = vector.multi_reduction <add>, %select_n3A_166, %reduce_sum3A_167 [1] : vector<512x512xf32> to vector<512xf32>
      %broadcast_in_dim3A_169 = vector.shape_cast %reduce_sum3A_168 : vector<512xf32> to vector<512x1xf32>
      %le3A_170 = arith.constant 9.000000e+00 : f32
      %le3A_171 = vector.broadcast %le3A_170 : f32 to vector<512x512xf32>
      %le3A_172 = arith.cmpf ole, %add3A_71, %le3A_171 : vector<512x512xf32>
      %jit3A_173 = arith.constant 1.000000e+00 : f32
      %jit3A_174 = arith.constant 0.000000e+00 : f32
      %broadcast_in_dim3A_175 = vector.broadcast %jit3A_173 : f32 to vector<512x512xf32>
      %broadcast_in_dim3A_176 = vector.broadcast %jit3A_174 : f32 to vector<512x512xf32>
      %select_n3A_177 = arith.select %le3A_172, %broadcast_in_dim3A_175, %broadcast_in_dim3A_176 : vector<512x512xi1>, vector<512x512xf32>
      %reduce_sum3A_178 = arith.constant dense<0.000000e+00> : vector<512xf32>
      %reduce_sum3A_179 = vector.multi_reduction <add>, %select_n3A_177, %reduce_sum3A_178 [1] : vector<512x512xf32> to vector<512xf32>
      %broadcast_in_dim3A_180 = vector.shape_cast %reduce_sum3A_179 : vector<512xf32> to vector<512x1xf32>
      %le3A_181 = arith.constant 1.000000e+01 : f32
      %le3A_182 = vector.broadcast %le3A_181 : f32 to vector<512x512xf32>
      %le3A_183 = arith.cmpf ole, %add3A_71, %le3A_182 : vector<512x512xf32>
      %jit3A_184 = arith.constant 1.000000e+00 : f32
      %jit3A_185 = arith.constant 0.000000e+00 : f32
      %broadcast_in_dim3A_186 = vector.broadcast %jit3A_184 : f32 to vector<512x512xf32>
      %broadcast_in_dim3A_187 = vector.broadcast %jit3A_185 : f32 to vector<512x512xf32>
      %select_n3A_188 = arith.select %le3A_183, %broadcast_in_dim3A_186, %broadcast_in_dim3A_187 : vector<512x512xi1>, vector<512x512xf32>
      %reduce_sum3A_189 = arith.constant dense<0.000000e+00> : vector<512xf32>
      %reduce_sum3A_190 = vector.multi_reduction <add>, %select_n3A_188, %reduce_sum3A_189 [1] : vector<512x512xf32> to vector<512xf32>
      %broadcast_in_dim3A_191 = vector.shape_cast %reduce_sum3A_190 : vector<512xf32> to vector<512x1xf32>
      %le3A_192 = arith.constant 1.100000e+01 : f32
      %le3A_193 = vector.broadcast %le3A_192 : f32 to vector<512x512xf32>
      %le3A_194 = arith.cmpf ole, %add3A_71, %le3A_193 : vector<512x512xf32>
      %jit3A_195 = arith.constant 1.000000e+00 : f32
      %jit3A_196 = arith.constant 0.000000e+00 : f32
      %broadcast_in_dim3A_197 = vector.broadcast %jit3A_195 : f32 to vector<512x512xf32>
      %broadcast_in_dim3A_198 = vector.broadcast %jit3A_196 : f32 to vector<512x512xf32>
      %select_n3A_199 = arith.select %le3A_194, %broadcast_in_dim3A_197, %broadcast_in_dim3A_198 : vector<512x512xi1>, vector<512x512xf32>
      %reduce_sum3A_200 = arith.constant dense<0.000000e+00> : vector<512xf32>
      %reduce_sum3A_201 = vector.multi_reduction <add>, %select_n3A_199, %reduce_sum3A_200 [1] : vector<512x512xf32> to vector<512xf32>
      %broadcast_in_dim3A_202 = vector.shape_cast %reduce_sum3A_201 : vector<512xf32> to vector<512x1xf32>
      %le3A_203 = arith.constant 1.200000e+01 : f32
      %le3A_204 = vector.broadcast %le3A_203 : f32 to vector<512x512xf32>
      %le3A_205 = arith.cmpf ole, %add3A_71, %le3A_204 : vector<512x512xf32>
      %jit3A_206 = arith.constant 1.000000e+00 : f32
      %jit3A_207 = arith.constant 0.000000e+00 : f32
      %broadcast_in_dim3A_208 = vector.broadcast %jit3A_206 : f32 to vector<512x512xf32>
      %broadcast_in_dim3A_209 = vector.broadcast %jit3A_207 : f32 to vector<512x512xf32>
      %select_n3A_210 = arith.select %le3A_205, %broadcast_in_dim3A_208, %broadcast_in_dim3A_209 : vector<512x512xi1>, vector<512x512xf32>
      %reduce_sum3A_211 = arith.constant dense<0.000000e+00> : vector<512xf32>
      %reduce_sum3A_212 = vector.multi_reduction <add>, %select_n3A_210, %reduce_sum3A_211 [1] : vector<512x512xf32> to vector<512xf32>
      %broadcast_in_dim3A_213 = vector.shape_cast %reduce_sum3A_212 : vector<512xf32> to vector<512x1xf32>
      %le3A_214 = arith.constant 1.300000e+01 : f32
      %le3A_215 = vector.broadcast %le3A_214 : f32 to vector<512x512xf32>
      %le3A_216 = arith.cmpf ole, %add3A_71, %le3A_215 : vector<512x512xf32>
      %jit3A_217 = arith.constant 1.000000e+00 : f32
      %jit3A_218 = arith.constant 0.000000e+00 : f32
      %broadcast_in_dim3A_219 = vector.broadcast %jit3A_217 : f32 to vector<512x512xf32>
      %broadcast_in_dim3A_220 = vector.broadcast %jit3A_218 : f32 to vector<512x512xf32>
      %select_n3A_221 = arith.select %le3A_216, %broadcast_in_dim3A_219, %broadcast_in_dim3A_220 : vector<512x512xi1>, vector<512x512xf32>
      %reduce_sum3A_222 = arith.constant dense<0.000000e+00> : vector<512xf32>
      %reduce_sum3A_223 = vector.multi_reduction <add>, %select_n3A_221, %reduce_sum3A_222 [1] : vector<512x512xf32> to vector<512xf32>
      %broadcast_in_dim3A_224 = vector.shape_cast %reduce_sum3A_223 : vector<512xf32> to vector<512x1xf32>
      %le3A_225 = arith.constant 1.400000e+01 : f32
      %le3A_226 = vector.broadcast %le3A_225 : f32 to vector<512x512xf32>
      %le3A_227 = arith.cmpf ole, %add3A_71, %le3A_226 : vector<512x512xf32>
      %jit3A_228 = arith.constant 1.000000e+00 : f32
      %jit3A_229 = arith.constant 0.000000e+00 : f32
      %broadcast_in_dim3A_230 = vector.broadcast %jit3A_228 : f32 to vector<512x512xf32>
      %broadcast_in_dim3A_231 = vector.broadcast %jit3A_229 : f32 to vector<512x512xf32>
      %select_n3A_232 = arith.select %le3A_227, %broadcast_in_dim3A_230, %broadcast_in_dim3A_231 : vector<512x512xi1>, vector<512x512xf32>
      %reduce_sum3A_233 = arith.constant dense<0.000000e+00> : vector<512xf32>
      %reduce_sum3A_234 = vector.multi_reduction <add>, %select_n3A_232, %reduce_sum3A_233 [1] : vector<512x512xf32> to vector<512xf32>
      %broadcast_in_dim3A_235 = vector.shape_cast %reduce_sum3A_234 : vector<512xf32> to vector<512x1xf32>
      %le3A_236 = arith.constant 1.500000e+01 : f32
      %le3A_237 = vector.broadcast %le3A_236 : f32 to vector<512x512xf32>
      %le3A_238 = arith.cmpf ole, %add3A_71, %le3A_237 : vector<512x512xf32>
      %jit3A_239 = arith.constant 1.000000e+00 : f32
      %jit3A_240 = arith.constant 0.000000e+00 : f32
      %broadcast_in_dim3A_241 = vector.broadcast %jit3A_239 : f32 to vector<512x512xf32>
      %broadcast_in_dim3A_242 = vector.broadcast %jit3A_240 : f32 to vector<512x512xf32>
      %select_n3A_243 = arith.select %le3A_238, %broadcast_in_dim3A_241, %broadcast_in_dim3A_242 : vector<512x512xi1>, vector<512x512xf32>
      %reduce_sum3A_244 = arith.constant dense<0.000000e+00> : vector<512xf32>
      %reduce_sum3A_245 = vector.multi_reduction <add>, %select_n3A_243, %reduce_sum3A_244 [1] : vector<512x512xf32> to vector<512xf32>
      %broadcast_in_dim3A_246 = vector.shape_cast %reduce_sum3A_245 : vector<512xf32> to vector<512x1xf32>
      %le3A_247 = arith.constant 1.600000e+01 : f32
      %le3A_248 = vector.broadcast %le3A_247 : f32 to vector<512x512xf32>
      %le3A_249 = arith.cmpf ole, %add3A_71, %le3A_248 : vector<512x512xf32>
      %jit3A_250 = arith.constant 1.000000e+00 : f32
      %jit3A_251 = arith.constant 0.000000e+00 : f32
      %broadcast_in_dim3A_252 = vector.broadcast %jit3A_250 : f32 to vector<512x512xf32>
      %broadcast_in_dim3A_253 = vector.broadcast %jit3A_251 : f32 to vector<512x512xf32>
      %select_n3A_254 = arith.select %le3A_249, %broadcast_in_dim3A_252, %broadcast_in_dim3A_253 : vector<512x512xi1>, vector<512x512xf32>
      %reduce_sum3A_255 = arith.constant dense<0.000000e+00> : vector<512xf32>
      %reduce_sum3A_256 = vector.multi_reduction <add>, %select_n3A_254, %reduce_sum3A_255 [1] : vector<512x512xf32> to vector<512xf32>
      %broadcast_in_dim3A_257 = vector.shape_cast %reduce_sum3A_256 : vector<512xf32> to vector<512x1xf32>
      %le3A_258 = arith.constant 1.700000e+01 : f32
      %le3A_259 = vector.broadcast %le3A_258 : f32 to vector<512x512xf32>
      %le3A_260 = arith.cmpf ole, %add3A_71, %le3A_259 : vector<512x512xf32>
      %jit3A_261 = arith.constant 1.000000e+00 : f32
      %jit3A_262 = arith.constant 0.000000e+00 : f32
      %broadcast_in_dim3A_263 = vector.broadcast %jit3A_261 : f32 to vector<512x512xf32>
      %broadcast_in_dim3A_264 = vector.broadcast %jit3A_262 : f32 to vector<512x512xf32>
      %select_n3A_265 = arith.select %le3A_260, %broadcast_in_dim3A_263, %broadcast_in_dim3A_264 : vector<512x512xi1>, vector<512x512xf32>
      %reduce_sum3A_266 = arith.constant dense<0.000000e+00> : vector<512xf32>
      %reduce_sum3A_267 = vector.multi_reduction <add>, %select_n3A_265, %reduce_sum3A_266 [1] : vector<512x512xf32> to vector<512xf32>
      %broadcast_in_dim3A_268 = vector.shape_cast %reduce_sum3A_267 : vector<512xf32> to vector<512x1xf32>
      %le3A_269 = arith.constant 1.800000e+01 : f32
      %le3A_270 = vector.broadcast %le3A_269 : f32 to vector<512x512xf32>
      %le3A_271 = arith.cmpf ole, %add3A_71, %le3A_270 : vector<512x512xf32>
      %jit3A_272 = arith.constant 1.000000e+00 : f32
      %jit3A_273 = arith.constant 0.000000e+00 : f32
      %broadcast_in_dim3A_274 = vector.broadcast %jit3A_272 : f32 to vector<512x512xf32>
      %broadcast_in_dim3A_275 = vector.broadcast %jit3A_273 : f32 to vector<512x512xf32>
      %select_n3A_276 = arith.select %le3A_271, %broadcast_in_dim3A_274, %broadcast_in_dim3A_275 : vector<512x512xi1>, vector<512x512xf32>
      %reduce_sum3A_277 = arith.constant dense<0.000000e+00> : vector<512xf32>
      %reduce_sum3A_278 = vector.multi_reduction <add>, %select_n3A_276, %reduce_sum3A_277 [1] : vector<512x512xf32> to vector<512xf32>
      %broadcast_in_dim3A_279 = vector.shape_cast %reduce_sum3A_278 : vector<512xf32> to vector<512x1xf32>
      %le3A_280 = arith.constant 1.900000e+01 : f32
      %le3A_281 = vector.broadcast %le3A_280 : f32 to vector<512x512xf32>
      %le3A_282 = arith.cmpf ole, %add3A_71, %le3A_281 : vector<512x512xf32>
      %jit3A_283 = arith.constant 1.000000e+00 : f32
      %jit3A_284 = arith.constant 0.000000e+00 : f32
      %broadcast_in_dim3A_285 = vector.broadcast %jit3A_283 : f32 to vector<512x512xf32>
      %broadcast_in_dim3A_286 = vector.broadcast %jit3A_284 : f32 to vector<512x512xf32>
      %select_n3A_287 = arith.select %le3A_282, %broadcast_in_dim3A_285, %broadcast_in_dim3A_286 : vector<512x512xi1>, vector<512x512xf32>
      %reduce_sum3A_288 = arith.constant dense<0.000000e+00> : vector<512xf32>
      %reduce_sum3A_289 = vector.multi_reduction <add>, %select_n3A_287, %reduce_sum3A_288 [1] : vector<512x512xf32> to vector<512xf32>
      %broadcast_in_dim3A_290 = vector.shape_cast %reduce_sum3A_289 : vector<512xf32> to vector<512x1xf32>
      %le3A_291 = arith.constant 2.000000e+01 : f32
      %le3A_292 = vector.broadcast %le3A_291 : f32 to vector<512x512xf32>
      %le3A_293 = arith.cmpf ole, %add3A_71, %le3A_292 : vector<512x512xf32>
      %jit3A_294 = arith.constant 1.000000e+00 : f32
      %jit3A_295 = arith.constant 0.000000e+00 : f32
      %broadcast_in_dim3A_296 = vector.broadcast %jit3A_294 : f32 to vector<512x512xf32>
      %broadcast_in_dim3A_297 = vector.broadcast %jit3A_295 : f32 to vector<512x512xf32>
      %select_n3A_298 = arith.select %le3A_293, %broadcast_in_dim3A_296, %broadcast_in_dim3A_297 : vector<512x512xi1>, vector<512x512xf32>
      %reduce_sum3A_299 = arith.constant dense<0.000000e+00> : vector<512xf32>
      %reduce_sum3A_300 = vector.multi_reduction <add>, %select_n3A_298, %reduce_sum3A_299 [1] : vector<512x512xf32> to vector<512xf32>
      %broadcast_in_dim3A_301 = vector.shape_cast %reduce_sum3A_300 : vector<512xf32> to vector<512x1xf32>
      %le3A_302 = arith.constant 2.100000e+01 : f32
      %le3A_303 = vector.broadcast %le3A_302 : f32 to vector<512x512xf32>
      %le3A_304 = arith.cmpf ole, %add3A_71, %le3A_303 : vector<512x512xf32>
      %jit3A_305 = arith.constant 1.000000e+00 : f32
      %jit3A_306 = arith.constant 0.000000e+00 : f32
      %broadcast_in_dim3A_307 = vector.broadcast %jit3A_305 : f32 to vector<512x512xf32>
      %broadcast_in_dim3A_308 = vector.broadcast %jit3A_306 : f32 to vector<512x512xf32>
      %select_n3A_309 = arith.select %le3A_304, %broadcast_in_dim3A_307, %broadcast_in_dim3A_308 : vector<512x512xi1>, vector<512x512xf32>
      %reduce_sum3A_310 = arith.constant dense<0.000000e+00> : vector<512xf32>
      %reduce_sum3A_311 = vector.multi_reduction <add>, %select_n3A_309, %reduce_sum3A_310 [1] : vector<512x512xf32> to vector<512xf32>
      %broadcast_in_dim3A_312 = vector.shape_cast %reduce_sum3A_311 : vector<512xf32> to vector<512x1xf32>
      %le3A_313 = arith.constant 2.200000e+01 : f32
      %le3A_314 = vector.broadcast %le3A_313 : f32 to vector<512x512xf32>
      %le3A_315 = arith.cmpf ole, %add3A_71, %le3A_314 : vector<512x512xf32>
      %jit3A_316 = arith.constant 1.000000e+00 : f32
      %jit3A_317 = arith.constant 0.000000e+00 : f32
      %broadcast_in_dim3A_318 = vector.broadcast %jit3A_316 : f32 to vector<512x512xf32>
      %broadcast_in_dim3A_319 = vector.broadcast %jit3A_317 : f32 to vector<512x512xf32>
      %select_n3A_320 = arith.select %le3A_315, %broadcast_in_dim3A_318, %broadcast_in_dim3A_319 : vector<512x512xi1>, vector<512x512xf32>
      %reduce_sum3A_321 = arith.constant dense<0.000000e+00> : vector<512xf32>
      %reduce_sum3A_322 = vector.multi_reduction <add>, %select_n3A_320, %reduce_sum3A_321 [1] : vector<512x512xf32> to vector<512xf32>
      %broadcast_in_dim3A_323 = vector.shape_cast %reduce_sum3A_322 : vector<512xf32> to vector<512x1xf32>
      %le3A_324 = arith.constant 2.300000e+01 : f32
      %le3A_325 = vector.broadcast %le3A_324 : f32 to vector<512x512xf32>
      %le3A_326 = arith.cmpf ole, %add3A_71, %le3A_325 : vector<512x512xf32>
      %jit3A_327 = arith.constant 1.000000e+00 : f32
      %jit3A_328 = arith.constant 0.000000e+00 : f32
      %broadcast_in_dim3A_329 = vector.broadcast %jit3A_327 : f32 to vector<512x512xf32>
      %broadcast_in_dim3A_330 = vector.broadcast %jit3A_328 : f32 to vector<512x512xf32>
      %select_n3A_331 = arith.select %le3A_326, %broadcast_in_dim3A_329, %broadcast_in_dim3A_330 : vector<512x512xi1>, vector<512x512xf32>
      %reduce_sum3A_332 = arith.constant dense<0.000000e+00> : vector<512xf32>
      %reduce_sum3A_333 = vector.multi_reduction <add>, %select_n3A_331, %reduce_sum3A_332 [1] : vector<512x512xf32> to vector<512xf32>
      %broadcast_in_dim3A_334 = vector.shape_cast %reduce_sum3A_333 : vector<512xf32> to vector<512x1xf32>
      %le3A_335 = arith.constant 2.400000e+01 : f32
      %le3A_336 = vector.broadcast %le3A_335 : f32 to vector<512x512xf32>
      %le3A_337 = arith.cmpf ole, %add3A_71, %le3A_336 : vector<512x512xf32>
      %jit3A_338 = arith.constant 1.000000e+00 : f32
      %jit3A_339 = arith.constant 0.000000e+00 : f32
      %broadcast_in_dim3A_340 = vector.broadcast %jit3A_338 : f32 to vector<512x512xf32>
      %broadcast_in_dim3A_341 = vector.broadcast %jit3A_339 : f32 to vector<512x512xf32>
      %select_n3A_342 = arith.select %le3A_337, %broadcast_in_dim3A_340, %broadcast_in_dim3A_341 : vector<512x512xi1>, vector<512x512xf32>
      %reduce_sum3A_343 = arith.constant dense<0.000000e+00> : vector<512xf32>
      %reduce_sum3A_344 = vector.multi_reduction <add>, %select_n3A_342, %reduce_sum3A_343 [1] : vector<512x512xf32> to vector<512xf32>
      %broadcast_in_dim3A_345 = vector.shape_cast %reduce_sum3A_344 : vector<512xf32> to vector<512x1xf32>
      %le3A_346 = arith.constant 2.500000e+01 : f32
      %le3A_347 = vector.broadcast %le3A_346 : f32 to vector<512x512xf32>
      %le3A_348 = arith.cmpf ole, %add3A_71, %le3A_347 : vector<512x512xf32>
      %jit3A_349 = arith.constant 1.000000e+00 : f32
      %jit3A_350 = arith.constant 0.000000e+00 : f32
      %broadcast_in_dim3A_351 = vector.broadcast %jit3A_349 : f32 to vector<512x512xf32>
      %broadcast_in_dim3A_352 = vector.broadcast %jit3A_350 : f32 to vector<512x512xf32>
      %select_n3A_353 = arith.select %le3A_348, %broadcast_in_dim3A_351, %broadcast_in_dim3A_352 : vector<512x512xi1>, vector<512x512xf32>
      %reduce_sum3A_354 = arith.constant dense<0.000000e+00> : vector<512xf32>
      %reduce_sum3A_355 = vector.multi_reduction <add>, %select_n3A_353, %reduce_sum3A_354 [1] : vector<512x512xf32> to vector<512xf32>
      %broadcast_in_dim3A_356 = vector.shape_cast %reduce_sum3A_355 : vector<512xf32> to vector<512x1xf32>
      %le3A_357 = arith.constant 2.600000e+01 : f32
      %le3A_358 = vector.broadcast %le3A_357 : f32 to vector<512x512xf32>
      %le3A_359 = arith.cmpf ole, %add3A_71, %le3A_358 : vector<512x512xf32>
      %jit3A_360 = arith.constant 1.000000e+00 : f32
      %jit3A_361 = arith.constant 0.000000e+00 : f32
      %broadcast_in_dim3A_362 = vector.broadcast %jit3A_360 : f32 to vector<512x512xf32>
      %broadcast_in_dim3A_363 = vector.broadcast %jit3A_361 : f32 to vector<512x512xf32>
      %select_n3A_364 = arith.select %le3A_359, %broadcast_in_dim3A_362, %broadcast_in_dim3A_363 : vector<512x512xi1>, vector<512x512xf32>
      %reduce_sum3A_365 = arith.constant dense<0.000000e+00> : vector<512xf32>
      %reduce_sum3A_366 = vector.multi_reduction <add>, %select_n3A_364, %reduce_sum3A_365 [1] : vector<512x512xf32> to vector<512xf32>
      %broadcast_in_dim3A_367 = vector.shape_cast %reduce_sum3A_366 : vector<512xf32> to vector<512x1xf32>
      %le3A_368 = arith.constant 2.700000e+01 : f32
      %le3A_369 = vector.broadcast %le3A_368 : f32 to vector<512x512xf32>
      %le3A_370 = arith.cmpf ole, %add3A_71, %le3A_369 : vector<512x512xf32>
      %jit3A_371 = arith.constant 1.000000e+00 : f32
      %jit3A_372 = arith.constant 0.000000e+00 : f32
      %broadcast_in_dim3A_373 = vector.broadcast %jit3A_371 : f32 to vector<512x512xf32>
      %broadcast_in_dim3A_374 = vector.broadcast %jit3A_372 : f32 to vector<512x512xf32>
      %select_n3A_375 = arith.select %le3A_370, %broadcast_in_dim3A_373, %broadcast_in_dim3A_374 : vector<512x512xi1>, vector<512x512xf32>
      %reduce_sum3A_376 = arith.constant dense<0.000000e+00> : vector<512xf32>
      %reduce_sum3A_377 = vector.multi_reduction <add>, %select_n3A_375, %reduce_sum3A_376 [1] : vector<512x512xf32> to vector<512xf32>
      %broadcast_in_dim3A_378 = vector.shape_cast %reduce_sum3A_377 : vector<512xf32> to vector<512x1xf32>
      %le3A_379 = arith.constant 2.800000e+01 : f32
      %le3A_380 = vector.broadcast %le3A_379 : f32 to vector<512x512xf32>
      %le3A_381 = arith.cmpf ole, %add3A_71, %le3A_380 : vector<512x512xf32>
      %jit3A_382 = arith.constant 1.000000e+00 : f32
      %jit3A_383 = arith.constant 0.000000e+00 : f32
      %broadcast_in_dim3A_384 = vector.broadcast %jit3A_382 : f32 to vector<512x512xf32>
      %broadcast_in_dim3A_385 = vector.broadcast %jit3A_383 : f32 to vector<512x512xf32>
      %select_n3A_386 = arith.select %le3A_381, %broadcast_in_dim3A_384, %broadcast_in_dim3A_385 : vector<512x512xi1>, vector<512x512xf32>
      %reduce_sum3A_387 = arith.constant dense<0.000000e+00> : vector<512xf32>
      %reduce_sum3A_388 = vector.multi_reduction <add>, %select_n3A_386, %reduce_sum3A_387 [1] : vector<512x512xf32> to vector<512xf32>
      %broadcast_in_dim3A_389 = vector.shape_cast %reduce_sum3A_388 : vector<512xf32> to vector<512x1xf32>
      %le3A_390 = arith.constant 2.900000e+01 : f32
      %le3A_391 = vector.broadcast %le3A_390 : f32 to vector<512x512xf32>
      %le3A_392 = arith.cmpf ole, %add3A_71, %le3A_391 : vector<512x512xf32>
      %jit3A_393 = arith.constant 1.000000e+00 : f32
      %jit3A_394 = arith.constant 0.000000e+00 : f32
      %broadcast_in_dim3A_395 = vector.broadcast %jit3A_393 : f32 to vector<512x512xf32>
      %broadcast_in_dim3A_396 = vector.broadcast %jit3A_394 : f32 to vector<512x512xf32>
      %select_n3A_397 = arith.select %le3A_392, %broadcast_in_dim3A_395, %broadcast_in_dim3A_396 : vector<512x512xi1>, vector<512x512xf32>
      %reduce_sum3A_398 = arith.constant dense<0.000000e+00> : vector<512xf32>
      %reduce_sum3A_399 = vector.multi_reduction <add>, %select_n3A_397, %reduce_sum3A_398 [1] : vector<512x512xf32> to vector<512xf32>
      %broadcast_in_dim3A_400 = vector.shape_cast %reduce_sum3A_399 : vector<512xf32> to vector<512x1xf32>
      %le3A_401 = arith.constant 3.000000e+01 : f32
      %le3A_402 = vector.broadcast %le3A_401 : f32 to vector<512x512xf32>
      %le3A_403 = arith.cmpf ole, %add3A_71, %le3A_402 : vector<512x512xf32>
      %jit3A_404 = arith.constant 1.000000e+00 : f32
      %jit3A_405 = arith.constant 0.000000e+00 : f32
      %broadcast_in_dim3A_406 = vector.broadcast %jit3A_404 : f32 to vector<512x512xf32>
      %broadcast_in_dim3A_407 = vector.broadcast %jit3A_405 : f32 to vector<512x512xf32>
      %select_n3A_408 = arith.select %le3A_403, %broadcast_in_dim3A_406, %broadcast_in_dim3A_407 : vector<512x512xi1>, vector<512x512xf32>
      %reduce_sum3A_409 = arith.constant dense<0.000000e+00> : vector<512xf32>
      %reduce_sum3A_410 = vector.multi_reduction <add>, %select_n3A_408, %reduce_sum3A_409 [1] : vector<512x512xf32> to vector<512xf32>
      %broadcast_in_dim3A_411 = vector.shape_cast %reduce_sum3A_410 : vector<512xf32> to vector<512x1xf32>
      %le3A_412 = arith.constant 3.100000e+01 : f32
      %le3A_413 = vector.broadcast %le3A_412 : f32 to vector<512x512xf32>
      %le3A_414 = arith.cmpf ole, %add3A_71, %le3A_413 : vector<512x512xf32>
      %jit3A_415 = arith.constant 1.000000e+00 : f32
      %jit3A_416 = arith.constant 0.000000e+00 : f32
      %broadcast_in_dim3A_417 = vector.broadcast %jit3A_415 : f32 to vector<512x512xf32>
      %broadcast_in_dim3A_418 = vector.broadcast %jit3A_416 : f32 to vector<512x512xf32>
      %select_n3A_419 = arith.select %le3A_414, %broadcast_in_dim3A_417, %broadcast_in_dim3A_418 : vector<512x512xi1>, vector<512x512xf32>
      %reduce_sum3A_420 = arith.constant dense<0.000000e+00> : vector<512xf32>
      %reduce_sum3A_421 = vector.multi_reduction <add>, %select_n3A_419, %reduce_sum3A_420 [1] : vector<512x512xf32> to vector<512xf32>
      %broadcast_in_dim3A_422 = vector.shape_cast %reduce_sum3A_421 : vector<512xf32> to vector<512x1xf32>
      %concatenate3A = tpu.concatenate %broadcast_in_dim3A_81, %broadcast_in_dim3A_92, %broadcast_in_dim3A_103, %broadcast_in_dim3A_114, %broadcast_in_dim3A_125, %broadcast_in_dim3A_136, %broadcast_in_dim3A_147, %broadcast_in_dim3A_158, %broadcast_in_dim3A_169, %broadcast_in_dim3A_180, %broadcast_in_dim3A_191, %broadcast_in_dim3A_202, %broadcast_in_dim3A_213, %broadcast_in_dim3A_224, %broadcast_in_dim3A_235, %broadcast_in_dim3A_246, %broadcast_in_dim3A_257, %broadcast_in_dim3A_268, %broadcast_in_dim3A_279, %broadcast_in_dim3A_290, %broadcast_in_dim3A_301, %broadcast_in_dim3A_312, %broadcast_in_dim3A_323, %broadcast_in_dim3A_334, %broadcast_in_dim3A_345, %broadcast_in_dim3A_356, %broadcast_in_dim3A_367, %broadcast_in_dim3A_378, %broadcast_in_dim3A_389, %broadcast_in_dim3A_400, %broadcast_in_dim3A_411, %broadcast_in_dim3A_422 in 1 : vector<512x1xf32>, vector<512x1xf32>, vector<512x1xf32>, vector<512x1xf32>, vector<512x1xf32>, vector<512x1xf32>, vector<512x1xf32>, vector<512x1xf32>, vector<512x1xf32>, vector<512x1xf32>, vector<512x1xf32>, vector<512x1xf32>, vector<512x1xf32>, vector<512x1xf32>, vector<512x1xf32>, vector<512x1xf32>, vector<512x1xf32>, vector<512x1xf32>, vector<512x1xf32>, vector<512x1xf32>, vector<512x1xf32>, vector<512x1xf32>, vector<512x1xf32>, vector<512x1xf32>, vector<512x1xf32>, vector<512x1xf32>, vector<512x1xf32>, vector<512x1xf32>, vector<512x1xf32>, vector<512x1xf32>, vector<512x1xf32>, vector<512x1xf32> -> vector<512x32xf32>
      %add3A_423 = arith.addf %scan3A_38, %concatenate3A : vector<512x32xf32>
      %reduce_sum3A_424 = arith.constant dense<0.000000e+00> : vector<512xf32>
      %reduce_sum3A_425 = vector.multi_reduction <add>, %select_n3A_67, %reduce_sum3A_424 [1] : vector<512x512xf32> to vector<512xf32>
      %broadcast_in_dim3A_426 = vector.shape_cast %reduce_sum3A_425 : vector<512xf32> to vector<512x1xf32>
      %add3A_427 = arith.addf %scan3A_39, %broadcast_in_dim3A_426 : vector<512x1xf32>
      scf.yield %add3A_423, %add3A_427 : vector<512x32xf32>, vector<512x1xf32>
    }
    %scan3A_19 = arith.constant 8 : i32
    %slice3A_20 = vector.extract_strided_slice %scan3A_18#0 {offsets = [0, 0], sizes = [512, 1], strides = [1, 1]} : vector<512x32xf32> to vector<512x1xf32>
    %eq3A = arith.constant 4.096000e+03 : f32
    %eq3A_21 = vector.broadcast %eq3A : f32 to vector<512x32xf32>
    %eq3A_22 = arith.cmpf oeq, %scan3A_18#0, %eq3A_21 : vector<512x32xf32>
    %broadcast_in_dim3A_23 = vector.shape_cast %slice3A_20 : vector<512x1xf32> to vector<512x1xf32>
    %broadcast_in_dim3A_24 = vector.broadcast %broadcast_in_dim3A_23 : vector<512x1xf32> to vector<512x32xf32>
    %select_n3A = arith.select %eq3A_22, %broadcast_in_dim3A_24, %scan3A_18#0 : vector<512x32xi1>, vector<512x32xf32>
    %jit3A = arith.constant 0.000000e+00 : f32
    %jit3A_25 = arith.constant 4.095000e+03 : f32
    %max3A = vector.broadcast %jit3A : f32 to vector<512x32xf32>
    %max3A_26 = arith.maximumf %max3A, %select_n3A : vector<512x32xf32>
    %min3A = vector.broadcast %jit3A_25 : f32 to vector<512x32xf32>
    %min3A_27 = arith.minimumf %min3A, %max3A_26 : vector<512x32xf32>
    %convert_element_type3A = arith.fptosi %min3A_27 : vector<512x32xf32> to vector<512x32xi32>
    %mul3A_28 = arith.constant 4096 : i32
    %mul3A_29 = arith.muli %arg0, %mul3A_28 : i32
    %add3A_30 = vector.broadcast %mul3A_29 : i32 to vector<512x32xi32>
    %add3A_31 = arith.addi %convert_element_type3A, %add3A_30 : vector<512x32xi32>
    %swap3A = arith.constant 0 : index
    %swap3A_32 = arith.constant 0 : index
    %swap3A_33 = arith.constant 0 : index
    %swap3A_34 = vector.load %arg4[%swap3A, %swap3A_32, %swap3A_33] : memref<1x512x32xi32, #tpu.memory_space<vmem>>, vector<1x512x32xi32>
    %swap3A_35 = vector.shape_cast %swap3A_34 : vector<1x512x32xi32> to vector<512x32xi32>
    %swap3A_36 = vector.shape_cast %add3A_31 : vector<512x32xi32> to vector<1x512x32xi32>
    tpu.vector_store %arg4[%swap3A, %swap3A_32, %swap3A_33], %swap3A_36 {strides = array<i32>} : memref<1x512x32xi32, #tpu.memory_space<vmem>>, vector<1x512x32xi32>,
    return
  }
  func.func @transform_0(%arg0: i32) -> (i32, i32, i32) {
    %c0_i32 = arith.constant 0 : i32
    %c0_i32_0 = arith.constant 0 : i32
    %c0_i32_1 = arith.constant 0 : i32
    return %arg0, %c0_i32, %c0_i32_0 : i32, i32, i32
  }
  func.func @transform_1(%arg0: i32) -> (i32, i32, i32, i32) {
    %c0_i32 = arith.constant 0 : i32
    %c0_i32_0 = arith.constant 0 : i32
    %c0_i32_1 = arith.constant 0 : i32
    %c0_i32_2 = arith.constant 0 : i32
    return %arg0, %c0_i32, %c0_i32_0, %c0_i32_1 : i32, i32, i32, i32
  }
  func.func @transform_2(%arg0: i32) -> (i32, i32) {
    %c0_i32 = arith.constant 0 : i32
    %c0_i32_0 = arith.constant 0 : i32
    %c0_i32_1 = arith.constant 0 : i32
    return %c0_i32, %c0_i32_0 : i32, i32
  }
  func.func @transform_3(%arg0: i32) -> (i32, i32, i32) {
    %c0_i32 = arith.constant 0 : i32
    %c0_i32_0 = arith.constant 0 : i32
    %c0_i32_1 = arith.constant 0 : i32
    return %arg0, %c0_i32, %c0_i32_0 : i32, i32, i32
  }
}

module attributes {stable_mosaic.version = 14 : i64} {
  func.func @_gram_kernel(%arg0: i32, %arg1: memref<2048x80xf32, #tpu.memory_space<vmem>>, %arg2: memref<2048x3xf32, #tpu.memory_space<vmem>>, %arg3: memref<81x81xf32, #tpu.memory_space<vmem>>) attributes {dimension_semantics = [#tpu.dimension_semantics<arbitrary>], iteration_bounds = array<i64: 64>, scalar_prefetch = 0 : i64, scratch_operands = 0 : i64, tpu.core_type = #tpu.core_type<tc>, window_params = [{transform_indices = @transform_0, window_bounds = array<i64: 2048, 80>}, {transform_indices = @transform_1, window_bounds = array<i64: 2048, 3>}, {pipeline_mode = #tpu.pipeline_mode<synchronous>, transform_indices = @transform_2, window_bounds = array<i64: 81, 81>}]} {
    %get3A = arith.constant 0 : index
    %get3A_0 = arith.constant 0 : index
    %get3A_1 = vector.load %arg1[%get3A, %get3A_0] : memref<2048x80xf32, #tpu.memory_space<vmem>>, vector<2048x80xf32>
    %slice3A = vector.extract_strided_slice %get3A_1 {offsets = [0, 0], sizes = [2048, 3], strides = [1, 1]} : vector<2048x80xf32> to vector<2048x3xf32>
    %get3A_2 = arith.constant 0 : index
    %get3A_3 = arith.constant 0 : index
    %get3A_4 = vector.load %arg2[%get3A_2, %get3A_3] : memref<2048x3xf32, #tpu.memory_space<vmem>>, vector<2048x3xf32>
    %sub3A = arith.subf %slice3A, %get3A_4 : vector<2048x3xf32>
    %slice3A_5 = vector.extract_strided_slice %get3A_1 {offsets = [0, 3], sizes = [2048, 77], strides = [1, 1]} : vector<2048x80xf32> to vector<2048x77xf32>
    %concatenate3A = tpu.concatenate %sub3A, %slice3A_5 in 1 : vector<2048x3xf32>, vector<2048x77xf32> -> vector<2048x80xf32>
    %broadcast_in_dim3A = arith.constant 1.000000e+00 : f32
    %broadcast_in_dim3A_6 = vector.broadcast %broadcast_in_dim3A : f32 to vector<2048x1xf32>
    %concatenate3A_7 = tpu.concatenate %concatenate3A, %broadcast_in_dim3A_6 in 1 : vector<2048x80xf32>, vector<2048x1xf32> -> vector<2048x81xf32>
    %dot_general3A = arith.constant dense<0.000000e+00> : vector<81x81xf32>
    %dot_general3A_8 = tpu.matmul %concatenate3A_7, %concatenate3A_7, %dot_general3A {dimension_numbers = #tpu.dot_dimension_numbers<[0], [0], [1], [1], [0, 1, 1, 1], [], []>, transpose_lhs_hint = false} : vector<2048x81xf32>, vector<2048x81xf32>, vector<81x81xf32> -> vector<81x81xf32>
    %eq3A = arith.constant 0 : i32
    %eq3A_9 = arith.cmpi eq, %arg0, %eq3A : i32
    %convert_element_type3A = arith.extui %eq3A_9 : i1 to i32
    %cond3A = arith.constant 0 : i32
    %cond3A_10 = arith.cmpi ne, %convert_element_type3A, %cond3A : i32
    scf.if %cond3A_10 {
      %broadcast_in_dim3A_16 = arith.constant 0.000000e+00 : f32
      %broadcast_in_dim3A_17 = vector.broadcast %broadcast_in_dim3A_16 : f32 to vector<81x81xf32>
      %swap3A_18 = arith.constant 0 : index
      %swap3A_19 = arith.constant 0 : index
      %swap3A_20 = vector.load %arg3[%swap3A_18, %swap3A_19] : memref<81x81xf32, #tpu.memory_space<vmem>>, vector<81x81xf32>
      tpu.vector_store %arg3[%swap3A_18, %swap3A_19], %broadcast_in_dim3A_17 {strides = array<i32>} : memref<81x81xf32, #tpu.memory_space<vmem>>, vector<81x81xf32>,
    } else {
    }
    %get3A_11 = arith.constant 0 : index
    %get3A_12 = arith.constant 0 : index
    %get3A_13 = vector.load %arg3[%get3A_11, %get3A_12] : memref<81x81xf32, #tpu.memory_space<vmem>>, vector<81x81xf32>
    %add3A = arith.addf %get3A_13, %dot_general3A_8 : vector<81x81xf32>
    %swap3A = arith.constant 0 : index
    %swap3A_14 = arith.constant 0 : index
    %swap3A_15 = vector.load %arg3[%swap3A, %swap3A_14] : memref<81x81xf32, #tpu.memory_space<vmem>>, vector<81x81xf32>
    tpu.vector_store %arg3[%swap3A, %swap3A_14], %add3A {strides = array<i32>} : memref<81x81xf32, #tpu.memory_space<vmem>>, vector<81x81xf32>,
    return
  }
  func.func @transform_0(%arg0: i32) -> (i32, i32) {
    %c0_i32 = arith.constant 0 : i32
    %c0_i32_0 = arith.constant 0 : i32
    return %arg0, %c0_i32 : i32, i32
  }
  func.func @transform_1(%arg0: i32) -> (i32, i32) {
    %c0_i32 = arith.constant 0 : i32
    %c0_i32_0 = arith.constant 0 : i32
    return %arg0, %c0_i32 : i32, i32
  }
  func.func @transform_2(%arg0: i32) -> (i32, i32) {
    %c0_i32 = arith.constant 0 : i32
    %c0_i32_0 = arith.constant 0 : i32
    %c0_i32_1 = arith.constant 0 : i32
    return %c0_i32, %c0_i32_0 : i32, i32
  }
}

module attributes {stable_mosaic.version = 14 : i64} {
  func.func @_stats_kernel(%arg0: memref<81x81xf32, #tpu.memory_space<vmem>>, %arg1: memref<80x64xf32, #tpu.memory_space<vmem>>, %arg2: memref<1x64xf32, #tpu.memory_space<vmem>>, %arg3: memref<1x64xf32, #tpu.memory_space<vmem>>, %arg4: memref<1x64xf32, #tpu.memory_space<vmem>>, %arg5: memref<1x64xf32, #tpu.memory_space<vmem>>) attributes {dimension_semantics = [], scalar_prefetch = 0 : i64, scratch_operands = 0 : i64, tpu.core_type = #tpu.core_type<tc>} {
    %get3A = arith.constant 0 : index
    %get3A_0 = arith.constant 0 : index
    %get3A_1 = vector.load %arg0[%get3A, %get3A_0] : memref<81x81xf32, #tpu.memory_space<vmem>>, vector<81x81xf32>
    %slice3A = vector.extract_strided_slice %get3A_1 {offsets = [80, 0], sizes = [1, 80], strides = [1, 1]} : vector<81x81xf32> to vector<1x80xf32>
    %div3A = arith.constant 1.310720e+05 : f32
    %div3A_2 = vector.broadcast %div3A : f32 to vector<1x80xf32>
    %div3A_3 = arith.divf %slice3A, %div3A_2 : vector<1x80xf32>
    %slice3A_4 = vector.extract_strided_slice %get3A_1 {offsets = [0, 0], sizes = [80, 80], strides = [1, 1]} : vector<81x81xf32> to vector<80x80xf32>
    %div3A_5 = arith.constant 1.310720e+05 : f32
    %div3A_6 = vector.broadcast %div3A_5 : f32 to vector<80x80xf32>
    %div3A_7 = arith.divf %slice3A_4, %div3A_6 : vector<80x80xf32>
    %dot_general3A = arith.constant dense<0.000000e+00> : vector<80x80xf32>
    %dot_general3A_8 = tpu.matmul %div3A_3, %div3A_3, %dot_general3A {dimension_numbers = #tpu.dot_dimension_numbers<[0], [0], [1], [1], [0, 1, 1, 1], [], []>, precision = #tpu.contract_precision<fp32>, transpose_lhs_hint = false} : vector<1x80xf32>, vector<1x80xf32>, vector<80x80xf32> -> vector<80x80xf32>
    %sub3A = arith.subf %div3A_7, %dot_general3A_8 : vector<80x80xf32>
    %get3A_9 = arith.constant 0 : index
    %get3A_10 = arith.constant 0 : index
    %get3A_11 = vector.load %arg1[%get3A_9, %get3A_10] : memref<80x64xf32, #tpu.memory_space<vmem>>, vector<80x64xf32>
    %dot_general3A_12 = arith.constant dense<0.000000e+00> : vector<1x64xf32>
    %dot_general3A_13 = tpu.matmul %div3A_3, %get3A_11, %dot_general3A_12 {dimension_numbers = #tpu.dot_dimension_numbers<[1], [0], [0], [1], [0, 0, 1, 1], [], []>, precision = #tpu.contract_precision<fp32>, transpose_lhs_hint = false} : vector<1x80xf32>, vector<80x64xf32>, vector<1x64xf32> -> vector<1x64xf32>
    %dot_general3A_14 = arith.constant dense<0.000000e+00> : vector<80x64xf32>
    %dot_general3A_15 = tpu.matmul %sub3A, %get3A_11, %dot_general3A_14 {dimension_numbers = #tpu.dot_dimension_numbers<[1], [0], [0], [1], [0, 0, 1, 1], [], []>, precision = #tpu.contract_precision<fp32>, transpose_lhs_hint = false} : vector<80x80xf32>, vector<80x64xf32>, vector<80x64xf32> -> vector<80x64xf32>
    %mul3A = arith.mulf %get3A_11, %dot_general3A_15 : vector<80x64xf32>
    %reduce_sum3A = arith.constant dense<0.000000e+00> : vector<64xf32>
    %reduce_sum3A_16 = vector.multi_reduction <add>, %mul3A, %reduce_sum3A [0] : vector<80x64xf32> to vector<64xf32>
    %broadcast_in_dim3A = vector.shape_cast %reduce_sum3A_16 : vector<64xf32> to vector<1x64xf32>
    %get3A_17 = arith.constant 0 : index
    %get3A_18 = arith.constant 0 : index
    %get3A_19 = vector.load %arg2[%get3A_17, %get3A_18] : memref<1x64xf32, #tpu.memory_space<vmem>>, vector<1x64xf32>
    %add3A = arith.constant 9.99999974E-6 : f32
    %add3A_20 = vector.broadcast %add3A : f32 to vector<1x64xf32>
    %add3A_21 = arith.addf %broadcast_in_dim3A, %add3A_20 : vector<1x64xf32>
    %sqrt3A = math.sqrt %add3A_21 : vector<1x64xf32>
    %div3A_22 = arith.divf %get3A_19, %sqrt3A : vector<1x64xf32>
    %swap3A = arith.constant 0 : index
    %swap3A_23 = arith.constant 0 : index
    %swap3A_24 = vector.load %arg4[%swap3A, %swap3A_23] : memref<1x64xf32, #tpu.memory_space<vmem>>, vector<1x64xf32>
    tpu.vector_store %arg4[%swap3A, %swap3A_23], %div3A_22 {strides = array<i32>} : memref<1x64xf32, #tpu.memory_space<vmem>>, vector<1x64xf32>,
    %get3A_25 = arith.constant 0 : index
    %get3A_26 = arith.constant 0 : index
    %get3A_27 = vector.load %arg3[%get3A_25, %get3A_26] : memref<1x64xf32, #tpu.memory_space<vmem>>, vector<1x64xf32>
    %mul3A_28 = arith.mulf %div3A_22, %dot_general3A_13 : vector<1x64xf32>
    %sub3A_29 = arith.subf %get3A_27, %mul3A_28 : vector<1x64xf32>
    %swap3A_30 = arith.constant 0 : index
    %swap3A_31 = arith.constant 0 : index
    %swap3A_32 = vector.load %arg5[%swap3A_30, %swap3A_31] : memref<1x64xf32, #tpu.memory_space<vmem>>, vector<1x64xf32>
    tpu.vector_store %arg5[%swap3A_30, %swap3A_31], %sub3A_29 {strides = array<i32>} : memref<1x64xf32, #tpu.memory_space<vmem>>, vector<1x64xf32>,
    return
  }
}

module attributes {stable_mosaic.version = 14 : i64} {
  func.func @_layer1_kernel(%arg0: i32, %arg1: memref<2048x80xf32, #tpu.memory_space<vmem>>, %arg2: memref<2048x3xf32, #tpu.memory_space<vmem>>, %arg3: memref<80x64xf32, #tpu.memory_space<vmem>>, %arg4: memref<1x64xf32, #tpu.memory_space<vmem>>, %arg5: memref<1x64xf32, #tpu.memory_space<vmem>>, %arg6: memref<2048x64xf32, #tpu.memory_space<vmem>>, %arg7: memref<65x65xf32, #tpu.memory_space<vmem>>) attributes {dimension_semantics = [#tpu.dimension_semantics<arbitrary>], iteration_bounds = array<i64: 64>, scalar_prefetch = 0 : i64, scratch_operands = 0 : i64, tpu.core_type = #tpu.core_type<tc>, window_params = [{transform_indices = @transform_0, window_bounds = array<i64: 2048, 80>}, {transform_indices = @transform_1, window_bounds = array<i64: 2048, 3>}, {pipeline_mode = #tpu.pipeline_mode<synchronous>, transform_indices = @transform_2, window_bounds = array<i64: 80, 64>}, {pipeline_mode = #tpu.pipeline_mode<synchronous>, transform_indices = @transform_3, window_bounds = array<i64: 1, 64>}, {pipeline_mode = #tpu.pipeline_mode<synchronous>, transform_indices = @transform_4, window_bounds = array<i64: 1, 64>}, {transform_indices = @transform_5, window_bounds = array<i64: 2048, 64>}, {pipeline_mode = #tpu.pipeline_mode<synchronous>, transform_indices = @transform_6, window_bounds = array<i64: 65, 65>}]} {
    %get3A = arith.constant 0 : index
    %get3A_0 = arith.constant 0 : index
    %get3A_1 = vector.load %arg1[%get3A, %get3A_0] : memref<2048x80xf32, #tpu.memory_space<vmem>>, vector<2048x80xf32>
    %slice3A = vector.extract_strided_slice %get3A_1 {offsets = [0, 0], sizes = [2048, 3], strides = [1, 1]} : vector<2048x80xf32> to vector<2048x3xf32>
    %get3A_2 = arith.constant 0 : index
    %get3A_3 = arith.constant 0 : index
    %get3A_4 = vector.load %arg2[%get3A_2, %get3A_3] : memref<2048x3xf32, #tpu.memory_space<vmem>>, vector<2048x3xf32>
    %sub3A = arith.subf %slice3A, %get3A_4 : vector<2048x3xf32>
    %slice3A_5 = vector.extract_strided_slice %get3A_1 {offsets = [0, 3], sizes = [2048, 77], strides = [1, 1]} : vector<2048x80xf32> to vector<2048x77xf32>
    %concatenate3A = tpu.concatenate %sub3A, %slice3A_5 in 1 : vector<2048x3xf32>, vector<2048x77xf32> -> vector<2048x80xf32>
    %get3A_6 = arith.constant 0 : index
    %get3A_7 = arith.constant 0 : index
    %get3A_8 = vector.load %arg3[%get3A_6, %get3A_7] : memref<80x64xf32, #tpu.memory_space<vmem>>, vector<80x64xf32>
    %dot_general3A = arith.constant dense<0.000000e+00> : vector<2048x64xf32>
    %dot_general3A_9 = tpu.matmul %concatenate3A, %get3A_8, %dot_general3A {dimension_numbers = #tpu.dot_dimension_numbers<[1], [0], [0], [1], [0, 0, 1, 1], [], []>, precision = #tpu.contract_precision<fp32>, transpose_lhs_hint = false} : vector<2048x80xf32>, vector<80x64xf32>, vector<2048x64xf32> -> vector<2048x64xf32>
    %get3A_10 = arith.constant 0 : index
    %get3A_11 = arith.constant 0 : index
    %get3A_12 = vector.load %arg4[%get3A_10, %get3A_11] : memref<1x64xf32, #tpu.memory_space<vmem>>, vector<1x64xf32>
    %mul3A = vector.broadcast %get3A_12 : vector<1x64xf32> to vector<2048x64xf32>
    %mul3A_13 = arith.mulf %dot_general3A_9, %mul3A : vector<2048x64xf32>
    %get3A_14 = arith.constant 0 : index
    %get3A_15 = arith.constant 0 : index
    %get3A_16 = vector.load %arg5[%get3A_14, %get3A_15] : memref<1x64xf32, #tpu.memory_space<vmem>>, vector<1x64xf32>
    %add3A = vector.broadcast %get3A_16 : vector<1x64xf32> to vector<2048x64xf32>
    %add3A_17 = arith.addf %mul3A_13, %add3A : vector<2048x64xf32>
    %max3A = arith.constant 0.000000e+00 : f32
    %max3A_18 = vector.broadcast %max3A : f32 to vector<2048x64xf32>
    %max3A_19 = arith.maximumf %add3A_17, %max3A_18 : vector<2048x64xf32>
    %swap3A = arith.constant 0 : index
    %swap3A_20 = arith.constant 0 : index
    %swap3A_21 = vector.load %arg6[%swap3A, %swap3A_20] : memref<2048x64xf32, #tpu.memory_space<vmem>>, vector<2048x64xf32>
    tpu.vector_store %arg6[%swap3A, %swap3A_20], %max3A_19 {strides = array<i32>} : memref<2048x64xf32, #tpu.memory_space<vmem>>, vector<2048x64xf32>,
    %broadcast_in_dim3A = arith.constant 1.000000e+00 : f32
    %broadcast_in_dim3A_22 = vector.broadcast %broadcast_in_dim3A : f32 to vector<2048x1xf32>
    %concatenate3A_23 = tpu.concatenate %max3A_19, %broadcast_in_dim3A_22 in 1 : vector<2048x64xf32>, vector<2048x1xf32> -> vector<2048x65xf32>
    %dot_general3A_24 = arith.constant dense<0.000000e+00> : vector<65x65xf32>
    %dot_general3A_25 = tpu.matmul %concatenate3A_23, %concatenate3A_23, %dot_general3A_24 {dimension_numbers = #tpu.dot_dimension_numbers<[0], [0], [1], [1], [0, 1, 1, 1], [], []>, transpose_lhs_hint = false} : vector<2048x65xf32>, vector<2048x65xf32>, vector<65x65xf32> -> vector<65x65xf32>
    %eq3A = arith.constant 0 : i32
    %eq3A_26 = arith.cmpi eq, %arg0, %eq3A : i32
    %convert_element_type3A = arith.extui %eq3A_26 : i1 to i32
    %cond3A = arith.constant 0 : i32
    %cond3A_27 = arith.cmpi ne, %convert_element_type3A, %cond3A : i32
    scf.if %cond3A_27 {
      %broadcast_in_dim3A_35 = arith.constant 0.000000e+00 : f32
      %broadcast_in_dim3A_36 = vector.broadcast %broadcast_in_dim3A_35 : f32 to vector<65x65xf32>
      %swap3A_37 = arith.constant 0 : index
      %swap3A_38 = arith.constant 0 : index
      %swap3A_39 = vector.load %arg7[%swap3A_37, %swap3A_38] : memref<65x65xf32, #tpu.memory_space<vmem>>, vector<65x65xf32>
      tpu.vector_store %arg7[%swap3A_37, %swap3A_38], %broadcast_in_dim3A_36 {strides = array<i32>} : memref<65x65xf32, #tpu.memory_space<vmem>>, vector<65x65xf32>,
    } else {
    }
    %get3A_28 = arith.constant 0 : index
    %get3A_29 = arith.constant 0 : index
    %get3A_30 = vector.load %arg7[%get3A_28, %get3A_29] : memref<65x65xf32, #tpu.memory_space<vmem>>, vector<65x65xf32>
    %add3A_31 = arith.addf %get3A_30, %dot_general3A_25 : vector<65x65xf32>
    %swap3A_32 = arith.constant 0 : index
    %swap3A_33 = arith.constant 0 : index
    %swap3A_34 = vector.load %arg7[%swap3A_32, %swap3A_33] : memref<65x65xf32, #tpu.memory_space<vmem>>, vector<65x65xf32>
    tpu.vector_store %arg7[%swap3A_32, %swap3A_33], %add3A_31 {strides = array<i32>} : memref<65x65xf32, #tpu.memory_space<vmem>>, vector<65x65xf32>,
    return
  }
  func.func @transform_0(%arg0: i32) -> (i32, i32) {
    %c0_i32 = arith.constant 0 : i32
    %c0_i32_0 = arith.constant 0 : i32
    return %arg0, %c0_i32 : i32, i32
  }
  func.func @transform_1(%arg0: i32) -> (i32, i32) {
    %c0_i32 = arith.constant 0 : i32
    %c0_i32_0 = arith.constant 0 : i32
    return %arg0, %c0_i32 : i32, i32
  }
  func.func @transform_2(%arg0: i32) -> (i32, i32) {
    %c0_i32 = arith.constant 0 : i32
    %c0_i32_0 = arith.constant 0 : i32
    %c0_i32_1 = arith.constant 0 : i32
    return %c0_i32, %c0_i32_0 : i32, i32
  }
  func.func @transform_3(%arg0: i32) -> (i32, i32) {
    %c0_i32 = arith.constant 0 : i32
    %c0_i32_0 = arith.constant 0 : i32
    %c0_i32_1 = arith.constant 0 : i32
    return %c0_i32, %c0_i32_0 : i32, i32
  }
  func.func @transform_4(%arg0: i32) -> (i32, i32) {
    %c0_i32 = arith.constant 0 : i32
    %c0_i32_0 = arith.constant 0 : i32
    %c0_i32_1 = arith.constant 0 : i32
    return %c0_i32, %c0_i32_0 : i32, i32
  }
  func.func @transform_5(%arg0: i32) -> (i32, i32) {
    %c0_i32 = arith.constant 0 : i32
    %c0_i32_0 = arith.constant 0 : i32
    return %arg0, %c0_i32 : i32, i32
  }
  func.func @transform_6(%arg0: i32) -> (i32, i32) {
    %c0_i32 = arith.constant 0 : i32
    %c0_i32_0 = arith.constant 0 : i32
    %c0_i32_1 = arith.constant 0 : i32
    return %c0_i32, %c0_i32_0 : i32, i32
  }
}

module attributes {stable_mosaic.version = 14 : i64} {
  func.func @_stats_kernel(%arg0: memref<65x65xf32, #tpu.memory_space<vmem>>, %arg1: memref<64x64xf32, #tpu.memory_space<vmem>>, %arg2: memref<1x64xf32, #tpu.memory_space<vmem>>, %arg3: memref<1x64xf32, #tpu.memory_space<vmem>>, %arg4: memref<1x64xf32, #tpu.memory_space<vmem>>, %arg5: memref<1x64xf32, #tpu.memory_space<vmem>>) attributes {dimension_semantics = [], scalar_prefetch = 0 : i64, scratch_operands = 0 : i64, tpu.core_type = #tpu.core_type<tc>} {
    %get3A = arith.constant 0 : index
    %get3A_0 = arith.constant 0 : index
    %get3A_1 = vector.load %arg0[%get3A, %get3A_0] : memref<65x65xf32, #tpu.memory_space<vmem>>, vector<65x65xf32>
    %slice3A = vector.extract_strided_slice %get3A_1 {offsets = [64, 0], sizes = [1, 64], strides = [1, 1]} : vector<65x65xf32> to vector<1x64xf32>
    %div3A = arith.constant 1.310720e+05 : f32
    %div3A_2 = vector.broadcast %div3A : f32 to vector<1x64xf32>
    %div3A_3 = arith.divf %slice3A, %div3A_2 : vector<1x64xf32>
    %slice3A_4 = vector.extract_strided_slice %get3A_1 {offsets = [0, 0], sizes = [64, 64], strides = [1, 1]} : vector<65x65xf32> to vector<64x64xf32>
    %div3A_5 = arith.constant 1.310720e+05 : f32
    %div3A_6 = vector.broadcast %div3A_5 : f32 to vector<64x64xf32>
    %div3A_7 = arith.divf %slice3A_4, %div3A_6 : vector<64x64xf32>
    %dot_general3A = arith.constant dense<0.000000e+00> : vector<64x64xf32>
    %dot_general3A_8 = tpu.matmul %div3A_3, %div3A_3, %dot_general3A {dimension_numbers = #tpu.dot_dimension_numbers<[0], [0], [1], [1], [0, 1, 1, 1], [], []>, precision = #tpu.contract_precision<fp32>, transpose_lhs_hint = false} : vector<1x64xf32>, vector<1x64xf32>, vector<64x64xf32> -> vector<64x64xf32>
    %sub3A = arith.subf %div3A_7, %dot_general3A_8 : vector<64x64xf32>
    %get3A_9 = arith.constant 0 : index
    %get3A_10 = arith.constant 0 : index
    %get3A_11 = vector.load %arg1[%get3A_9, %get3A_10] : memref<64x64xf32, #tpu.memory_space<vmem>>, vector<64x64xf32>
    %dot_general3A_12 = arith.constant dense<0.000000e+00> : vector<1x64xf32>
    %dot_general3A_13 = tpu.matmul %div3A_3, %get3A_11, %dot_general3A_12 {dimension_numbers = #tpu.dot_dimension_numbers<[1], [0], [0], [1], [0, 0, 1, 1], [], []>, precision = #tpu.contract_precision<fp32>, transpose_lhs_hint = false} : vector<1x64xf32>, vector<64x64xf32>, vector<1x64xf32> -> vector<1x64xf32>
    %dot_general3A_14 = arith.constant dense<0.000000e+00> : vector<64x64xf32>
    %dot_general3A_15 = tpu.matmul %sub3A, %get3A_11, %dot_general3A_14 {dimension_numbers = #tpu.dot_dimension_numbers<[1], [0], [0], [1], [0, 0, 1, 1], [], []>, precision = #tpu.contract_precision<fp32>, transpose_lhs_hint = false} : vector<64x64xf32>, vector<64x64xf32>, vector<64x64xf32> -> vector<64x64xf32>
    %mul3A = arith.mulf %get3A_11, %dot_general3A_15 : vector<64x64xf32>
    %reduce_sum3A = arith.constant dense<0.000000e+00> : vector<64xf32>
    %reduce_sum3A_16 = vector.multi_reduction <add>, %mul3A, %reduce_sum3A [0] : vector<64x64xf32> to vector<64xf32>
    %broadcast_in_dim3A = vector.shape_cast %reduce_sum3A_16 : vector<64xf32> to vector<1x64xf32>
    %get3A_17 = arith.constant 0 : index
    %get3A_18 = arith.constant 0 : index
    %get3A_19 = vector.load %arg2[%get3A_17, %get3A_18] : memref<1x64xf32, #tpu.memory_space<vmem>>, vector<1x64xf32>
    %add3A = arith.constant 9.99999974E-6 : f32
    %add3A_20 = vector.broadcast %add3A : f32 to vector<1x64xf32>
    %add3A_21 = arith.addf %broadcast_in_dim3A, %add3A_20 : vector<1x64xf32>
    %sqrt3A = math.sqrt %add3A_21 : vector<1x64xf32>
    %div3A_22 = arith.divf %get3A_19, %sqrt3A : vector<1x64xf32>
    %swap3A = arith.constant 0 : index
    %swap3A_23 = arith.constant 0 : index
    %swap3A_24 = vector.load %arg4[%swap3A, %swap3A_23] : memref<1x64xf32, #tpu.memory_space<vmem>>, vector<1x64xf32>
    tpu.vector_store %arg4[%swap3A, %swap3A_23], %div3A_22 {strides = array<i32>} : memref<1x64xf32, #tpu.memory_space<vmem>>, vector<1x64xf32>,
    %get3A_25 = arith.constant 0 : index
    %get3A_26 = arith.constant 0 : index
    %get3A_27 = vector.load %arg3[%get3A_25, %get3A_26] : memref<1x64xf32, #tpu.memory_space<vmem>>, vector<1x64xf32>
    %mul3A_28 = arith.mulf %div3A_22, %dot_general3A_13 : vector<1x64xf32>
    %sub3A_29 = arith.subf %get3A_27, %mul3A_28 : vector<1x64xf32>
    %swap3A_30 = arith.constant 0 : index
    %swap3A_31 = arith.constant 0 : index
    %swap3A_32 = vector.load %arg5[%swap3A_30, %swap3A_31] : memref<1x64xf32, #tpu.memory_space<vmem>>, vector<1x64xf32>
    tpu.vector_store %arg5[%swap3A_30, %swap3A_31], %sub3A_29 {strides = array<i32>} : memref<1x64xf32, #tpu.memory_space<vmem>>, vector<1x64xf32>,
    return
  }
}

module attributes {stable_mosaic.version = 14 : i64} {
  func.func @_layer_kernel(%arg0: i32, %arg1: memref<2048x64xf32, #tpu.memory_space<vmem>>, %arg2: memref<64x64xf32, #tpu.memory_space<vmem>>, %arg3: memref<1x64xf32, #tpu.memory_space<vmem>>, %arg4: memref<1x64xf32, #tpu.memory_space<vmem>>, %arg5: memref<2048x64xf32, #tpu.memory_space<vmem>>, %arg6: memref<65x65xf32, #tpu.memory_space<vmem>>) attributes {dimension_semantics = [#tpu.dimension_semantics<arbitrary>], iteration_bounds = array<i64: 64>, scalar_prefetch = 0 : i64, scratch_operands = 0 : i64, tpu.core_type = #tpu.core_type<tc>, window_params = [{transform_indices = @transform_0, window_bounds = array<i64: 2048, 64>}, {pipeline_mode = #tpu.pipeline_mode<synchronous>, transform_indices = @transform_1, window_bounds = array<i64: 64, 64>}, {pipeline_mode = #tpu.pipeline_mode<synchronous>, transform_indices = @transform_2, window_bounds = array<i64: 1, 64>}, {pipeline_mode = #tpu.pipeline_mode<synchronous>, transform_indices = @transform_3, window_bounds = array<i64: 1, 64>}, {transform_indices = @transform_4, window_bounds = array<i64: 2048, 64>}, {pipeline_mode = #tpu.pipeline_mode<synchronous>, transform_indices = @transform_5, window_bounds = array<i64: 65, 65>}]} {
    %get3A = arith.constant 0 : index
    %get3A_0 = arith.constant 0 : index
    %get3A_1 = vector.load %arg1[%get3A, %get3A_0] : memref<2048x64xf32, #tpu.memory_space<vmem>>, vector<2048x64xf32>
    %get3A_2 = arith.constant 0 : index
    %get3A_3 = arith.constant 0 : index
    %get3A_4 = vector.load %arg2[%get3A_2, %get3A_3] : memref<64x64xf32, #tpu.memory_space<vmem>>, vector<64x64xf32>
    %dot_general3A = arith.constant dense<0.000000e+00> : vector<2048x64xf32>
    %dot_general3A_5 = tpu.matmul %get3A_1, %get3A_4, %dot_general3A {dimension_numbers = #tpu.dot_dimension_numbers<[1], [0], [0], [1], [0, 0, 1, 1], [], []>, precision = #tpu.contract_precision<fp32>, transpose_lhs_hint = false} : vector<2048x64xf32>, vector<64x64xf32>, vector<2048x64xf32> -> vector<2048x64xf32>
    %get3A_6 = arith.constant 0 : index
    %get3A_7 = arith.constant 0 : index
    %get3A_8 = vector.load %arg3[%get3A_6, %get3A_7] : memref<1x64xf32, #tpu.memory_space<vmem>>, vector<1x64xf32>
    %mul3A = vector.broadcast %get3A_8 : vector<1x64xf32> to vector<2048x64xf32>
    %mul3A_9 = arith.mulf %dot_general3A_5, %mul3A : vector<2048x64xf32>
    %get3A_10 = arith.constant 0 : index
    %get3A_11 = arith.constant 0 : index
    %get3A_12 = vector.load %arg4[%get3A_10, %get3A_11] : memref<1x64xf32, #tpu.memory_space<vmem>>, vector<1x64xf32>
    %add3A = vector.broadcast %get3A_12 : vector<1x64xf32> to vector<2048x64xf32>
    %add3A_13 = arith.addf %mul3A_9, %add3A : vector<2048x64xf32>
    %max3A = arith.constant 0.000000e+00 : f32
    %max3A_14 = vector.broadcast %max3A : f32 to vector<2048x64xf32>
    %max3A_15 = arith.maximumf %add3A_13, %max3A_14 : vector<2048x64xf32>
    %swap3A = arith.constant 0 : index
    %swap3A_16 = arith.constant 0 : index
    %swap3A_17 = vector.load %arg5[%swap3A, %swap3A_16] : memref<2048x64xf32, #tpu.memory_space<vmem>>, vector<2048x64xf32>
    tpu.vector_store %arg5[%swap3A, %swap3A_16], %max3A_15 {strides = array<i32>} : memref<2048x64xf32, #tpu.memory_space<vmem>>, vector<2048x64xf32>,
    %broadcast_in_dim3A = arith.constant 1.000000e+00 : f32
    %broadcast_in_dim3A_18 = vector.broadcast %broadcast_in_dim3A : f32 to vector<2048x1xf32>
    %concatenate3A = tpu.concatenate %max3A_15, %broadcast_in_dim3A_18 in 1 : vector<2048x64xf32>, vector<2048x1xf32> -> vector<2048x65xf32>
    %dot_general3A_19 = arith.constant dense<0.000000e+00> : vector<65x65xf32>
    %dot_general3A_20 = tpu.matmul %concatenate3A, %concatenate3A, %dot_general3A_19 {dimension_numbers = #tpu.dot_dimension_numbers<[0], [0], [1], [1], [0, 1, 1, 1], [], []>, transpose_lhs_hint = false} : vector<2048x65xf32>, vector<2048x65xf32>, vector<65x65xf32> -> vector<65x65xf32>
    %eq3A = arith.constant 0 : i32
    %eq3A_21 = arith.cmpi eq, %arg0, %eq3A : i32
    %convert_element_type3A = arith.extui %eq3A_21 : i1 to i32
    %cond3A = arith.constant 0 : i32
    %cond3A_22 = arith.cmpi ne, %convert_element_type3A, %cond3A : i32
    scf.if %cond3A_22 {
      %broadcast_in_dim3A_30 = arith.constant 0.000000e+00 : f32
      %broadcast_in_dim3A_31 = vector.broadcast %broadcast_in_dim3A_30 : f32 to vector<65x65xf32>
      %swap3A_32 = arith.constant 0 : index
      %swap3A_33 = arith.constant 0 : index
      %swap3A_34 = vector.load %arg6[%swap3A_32, %swap3A_33] : memref<65x65xf32, #tpu.memory_space<vmem>>, vector<65x65xf32>
      tpu.vector_store %arg6[%swap3A_32, %swap3A_33], %broadcast_in_dim3A_31 {strides = array<i32>} : memref<65x65xf32, #tpu.memory_space<vmem>>, vector<65x65xf32>,
    } else {
    }
    %get3A_23 = arith.constant 0 : index
    %get3A_24 = arith.constant 0 : index
    %get3A_25 = vector.load %arg6[%get3A_23, %get3A_24] : memref<65x65xf32, #tpu.memory_space<vmem>>, vector<65x65xf32>
    %add3A_26 = arith.addf %get3A_25, %dot_general3A_20 : vector<65x65xf32>
    %swap3A_27 = arith.constant 0 : index
    %swap3A_28 = arith.constant 0 : index
    %swap3A_29 = vector.load %arg6[%swap3A_27, %swap3A_28] : memref<65x65xf32, #tpu.memory_space<vmem>>, vector<65x65xf32>
    tpu.vector_store %arg6[%swap3A_27, %swap3A_28], %add3A_26 {strides = array<i32>} : memref<65x65xf32, #tpu.memory_space<vmem>>, vector<65x65xf32>,
    return
  }
  func.func @transform_0(%arg0: i32) -> (i32, i32) {
    %c0_i32 = arith.constant 0 : i32
    %c0_i32_0 = arith.constant 0 : i32
    return %arg0, %c0_i32 : i32, i32
  }
  func.func @transform_1(%arg0: i32) -> (i32, i32) {
    %c0_i32 = arith.constant 0 : i32
    %c0_i32_0 = arith.constant 0 : i32
    %c0_i32_1 = arith.constant 0 : i32
    return %c0_i32, %c0_i32_0 : i32, i32
  }
  func.func @transform_2(%arg0: i32) -> (i32, i32) {
    %c0_i32 = arith.constant 0 : i32
    %c0_i32_0 = arith.constant 0 : i32
    %c0_i32_1 = arith.constant 0 : i32
    return %c0_i32, %c0_i32_0 : i32, i32
  }
  func.func @transform_3(%arg0: i32) -> (i32, i32) {
    %c0_i32 = arith.constant 0 : i32
    %c0_i32_0 = arith.constant 0 : i32
    %c0_i32_1 = arith.constant 0 : i32
    return %c0_i32, %c0_i32_0 : i32, i32
  }
  func.func @transform_4(%arg0: i32) -> (i32, i32) {
    %c0_i32 = arith.constant 0 : i32
    %c0_i32_0 = arith.constant 0 : i32
    return %arg0, %c0_i32 : i32, i32
  }
  func.func @transform_5(%arg0: i32) -> (i32, i32) {
    %c0_i32 = arith.constant 0 : i32
    %c0_i32_0 = arith.constant 0 : i32
    %c0_i32_1 = arith.constant 0 : i32
    return %c0_i32, %c0_i32_0 : i32, i32
  }
}

module attributes {stable_mosaic.version = 14 : i64} {
  func.func @_stats_kernel(%arg0: memref<65x65xf32, #tpu.memory_space<vmem>>, %arg1: memref<64x128xf32, #tpu.memory_space<vmem>>, %arg2: memref<1x128xf32, #tpu.memory_space<vmem>>, %arg3: memref<1x128xf32, #tpu.memory_space<vmem>>, %arg4: memref<1x128xf32, #tpu.memory_space<vmem>>, %arg5: memref<1x128xf32, #tpu.memory_space<vmem>>) attributes {dimension_semantics = [], scalar_prefetch = 0 : i64, scratch_operands = 0 : i64, tpu.core_type = #tpu.core_type<tc>} {
    %get3A = arith.constant 0 : index
    %get3A_0 = arith.constant 0 : index
    %get3A_1 = vector.load %arg0[%get3A, %get3A_0] : memref<65x65xf32, #tpu.memory_space<vmem>>, vector<65x65xf32>
    %slice3A = vector.extract_strided_slice %get3A_1 {offsets = [64, 0], sizes = [1, 64], strides = [1, 1]} : vector<65x65xf32> to vector<1x64xf32>
    %div3A = arith.constant 1.310720e+05 : f32
    %div3A_2 = vector.broadcast %div3A : f32 to vector<1x64xf32>
    %div3A_3 = arith.divf %slice3A, %div3A_2 : vector<1x64xf32>
    %slice3A_4 = vector.extract_strided_slice %get3A_1 {offsets = [0, 0], sizes = [64, 64], strides = [1, 1]} : vector<65x65xf32> to vector<64x64xf32>
    %div3A_5 = arith.constant 1.310720e+05 : f32
    %div3A_6 = vector.broadcast %div3A_5 : f32 to vector<64x64xf32>
    %div3A_7 = arith.divf %slice3A_4, %div3A_6 : vector<64x64xf32>
    %dot_general3A = arith.constant dense<0.000000e+00> : vector<64x64xf32>
    %dot_general3A_8 = tpu.matmul %div3A_3, %div3A_3, %dot_general3A {dimension_numbers = #tpu.dot_dimension_numbers<[0], [0], [1], [1], [0, 1, 1, 1], [], []>, precision = #tpu.contract_precision<fp32>, transpose_lhs_hint = false} : vector<1x64xf32>, vector<1x64xf32>, vector<64x64xf32> -> vector<64x64xf32>
    %sub3A = arith.subf %div3A_7, %dot_general3A_8 : vector<64x64xf32>
    %get3A_9 = arith.constant 0 : index
    %get3A_10 = arith.constant 0 : index
    %get3A_11 = vector.load %arg1[%get3A_9, %get3A_10] : memref<64x128xf32, #tpu.memory_space<vmem>>, vector<64x128xf32>
    %dot_general3A_12 = arith.constant dense<0.000000e+00> : vector<1x128xf32>
    %dot_general3A_13 = tpu.matmul %div3A_3, %get3A_11, %dot_general3A_12 {dimension_numbers = #tpu.dot_dimension_numbers<[1], [0], [0], [1], [0, 0, 1, 1], [], []>, precision = #tpu.contract_precision<fp32>, transpose_lhs_hint = false} : vector<1x64xf32>, vector<64x128xf32>, vector<1x128xf32> -> vector<1x128xf32>
    %dot_general3A_14 = arith.constant dense<0.000000e+00> : vector<64x128xf32>
    %dot_general3A_15 = tpu.matmul %sub3A, %get3A_11, %dot_general3A_14 {dimension_numbers = #tpu.dot_dimension_numbers<[1], [0], [0], [1], [0, 0, 1, 1], [], []>, precision = #tpu.contract_precision<fp32>, transpose_lhs_hint = false} : vector<64x64xf32>, vector<64x128xf32>, vector<64x128xf32> -> vector<64x128xf32>
    %mul3A = arith.mulf %get3A_11, %dot_general3A_15 : vector<64x128xf32>
    %reduce_sum3A = arith.constant dense<0.000000e+00> : vector<128xf32>
    %reduce_sum3A_16 = vector.multi_reduction <add>, %mul3A, %reduce_sum3A [0] : vector<64x128xf32> to vector<128xf32>
    %broadcast_in_dim3A = vector.shape_cast %reduce_sum3A_16 : vector<128xf32> to vector<1x128xf32>
    %get3A_17 = arith.constant 0 : index
    %get3A_18 = arith.constant 0 : index
    %get3A_19 = vector.load %arg2[%get3A_17, %get3A_18] : memref<1x128xf32, #tpu.memory_space<vmem>>, vector<1x128xf32>
    %add3A = arith.constant 9.99999974E-6 : f32
    %add3A_20 = vector.broadcast %add3A : f32 to vector<1x128xf32>
    %add3A_21 = arith.addf %broadcast_in_dim3A, %add3A_20 : vector<1x128xf32>
    %sqrt3A = math.sqrt %add3A_21 : vector<1x128xf32>
    %div3A_22 = arith.divf %get3A_19, %sqrt3A : vector<1x128xf32>
    %swap3A = arith.constant 0 : index
    %swap3A_23 = arith.constant 0 : index
    %swap3A_24 = vector.load %arg4[%swap3A, %swap3A_23] : memref<1x128xf32, #tpu.memory_space<vmem>>, vector<1x128xf32>
    tpu.vector_store %arg4[%swap3A, %swap3A_23], %div3A_22 {strides = array<i32>} : memref<1x128xf32, #tpu.memory_space<vmem>>, vector<1x128xf32>,
    %get3A_25 = arith.constant 0 : index
    %get3A_26 = arith.constant 0 : index
    %get3A_27 = vector.load %arg3[%get3A_25, %get3A_26] : memref<1x128xf32, #tpu.memory_space<vmem>>, vector<1x128xf32>
    %mul3A_28 = arith.mulf %div3A_22, %dot_general3A_13 : vector<1x128xf32>
    %sub3A_29 = arith.subf %get3A_27, %mul3A_28 : vector<1x128xf32>
    %swap3A_30 = arith.constant 0 : index
    %swap3A_31 = arith.constant 0 : index
    %swap3A_32 = vector.load %arg5[%swap3A_30, %swap3A_31] : memref<1x128xf32, #tpu.memory_space<vmem>>, vector<1x128xf32>
    tpu.vector_store %arg5[%swap3A_30, %swap3A_31], %sub3A_29 {strides = array<i32>} : memref<1x128xf32, #tpu.memory_space<vmem>>, vector<1x128xf32>,
    return
  }
}

module attributes {stable_mosaic.version = 14 : i64} {
  func.func @_layer3_kernel(%arg0: i32, %arg1: memref<2048x64xf32, #tpu.memory_space<vmem>>, %arg2: memref<64x128xf32, #tpu.memory_space<vmem>>, %arg3: memref<1x128xf32, #tpu.memory_space<vmem>>, %arg4: memref<1x128xf32, #tpu.memory_space<vmem>>, %arg5: memref<64x128xf32, #tpu.memory_space<vmem>>) attributes {dimension_semantics = [#tpu.dimension_semantics<parallel>], iteration_bounds = array<i64: 64>, scalar_prefetch = 0 : i64, scratch_operands = 0 : i64, tpu.core_type = #tpu.core_type<tc>, window_params = [{transform_indices = @transform_0, window_bounds = array<i64: 2048, 64>}, {pipeline_mode = #tpu.pipeline_mode<synchronous>, transform_indices = @transform_1, window_bounds = array<i64: 64, 128>}, {pipeline_mode = #tpu.pipeline_mode<synchronous>, transform_indices = @transform_2, window_bounds = array<i64: 1, 128>}, {pipeline_mode = #tpu.pipeline_mode<synchronous>, transform_indices = @transform_3, window_bounds = array<i64: 1, 128>}, {transform_indices = @transform_4, window_bounds = array<i64: 64, 128>}]} {
    %get3A = arith.constant 0 : index
    %get3A_0 = arith.constant 0 : index
    %get3A_1 = vector.load %arg1[%get3A, %get3A_0] : memref<2048x64xf32, #tpu.memory_space<vmem>>, vector<2048x64xf32>
    %get3A_2 = arith.constant 0 : index
    %get3A_3 = arith.constant 0 : index
    %get3A_4 = vector.load %arg2[%get3A_2, %get3A_3] : memref<64x128xf32, #tpu.memory_space<vmem>>, vector<64x128xf32>
    %dot_general3A = arith.constant dense<0.000000e+00> : vector<2048x128xf32>
    %dot_general3A_5 = tpu.matmul %get3A_1, %get3A_4, %dot_general3A {dimension_numbers = #tpu.dot_dimension_numbers<[1], [0], [0], [1], [0, 0, 1, 1], [], []>, precision = #tpu.contract_precision<fp32>, transpose_lhs_hint = false} : vector<2048x64xf32>, vector<64x128xf32>, vector<2048x128xf32> -> vector<2048x128xf32>
    %get3A_6 = arith.constant 0 : index
    %get3A_7 = arith.constant 0 : index
    %get3A_8 = vector.load %arg3[%get3A_6, %get3A_7] : memref<1x128xf32, #tpu.memory_space<vmem>>, vector<1x128xf32>
    %mul3A = vector.broadcast %get3A_8 : vector<1x128xf32> to vector<2048x128xf32>
    %mul3A_9 = arith.mulf %dot_general3A_5, %mul3A : vector<2048x128xf32>
    %get3A_10 = arith.constant 0 : index
    %get3A_11 = arith.constant 0 : index
    %get3A_12 = vector.load %arg4[%get3A_10, %get3A_11] : memref<1x128xf32, #tpu.memory_space<vmem>>, vector<1x128xf32>
    %add3A = vector.broadcast %get3A_12 : vector<1x128xf32> to vector<2048x128xf32>
    %add3A_13 = arith.addf %mul3A_9, %add3A : vector<2048x128xf32>
    %max3A = arith.constant 0.000000e+00 : f32
    %max3A_14 = vector.broadcast %max3A : f32 to vector<2048x128xf32>
    %max3A_15 = arith.maximumf %add3A_13, %max3A_14 : vector<2048x128xf32>
    %slice3A = vector.extract_strided_slice %max3A_15 {offsets = [0, 0], sizes = [32, 128], strides = [1, 1]} : vector<2048x128xf32> to vector<32x128xf32>
    %reduce_max3A = arith.constant dense<0xFF800000> : vector<128xf32>
    %reduce_max3A_16 = vector.multi_reduction <maximumf>, %slice3A, %reduce_max3A [0] : vector<32x128xf32> to vector<128xf32>
    %broadcast_in_dim3A = vector.shape_cast %reduce_max3A_16 : vector<128xf32> to vector<1x128xf32>
    %swap3A = arith.constant 0 : index
    %swap3A_17 = arith.constant 0 : index
    %swap3A_18 = vector.load %arg5[%swap3A, %swap3A_17] : memref<64x128xf32, #tpu.memory_space<vmem>>, vector<1x128xf32>
    tpu.vector_store %arg5[%swap3A, %swap3A_17], %broadcast_in_dim3A {strides = array<i32>} : memref<64x128xf32, #tpu.memory_space<vmem>>, vector<1x128xf32>,
    %slice3A_19 = vector.extract_strided_slice %max3A_15 {offsets = [32, 0], sizes = [32, 128], strides = [1, 1]} : vector<2048x128xf32> to vector<32x128xf32>
    %reduce_max3A_20 = arith.constant dense<0xFF800000> : vector<128xf32>
    %reduce_max3A_21 = vector.multi_reduction <maximumf>, %slice3A_19, %reduce_max3A_20 [0] : vector<32x128xf32> to vector<128xf32>
    %broadcast_in_dim3A_22 = vector.shape_cast %reduce_max3A_21 : vector<128xf32> to vector<1x128xf32>
    %swap3A_23 = arith.constant 1 : index
    %swap3A_24 = arith.constant 0 : index
    %swap3A_25 = vector.load %arg5[%swap3A_23, %swap3A_24] : memref<64x128xf32, #tpu.memory_space<vmem>>, vector<1x128xf32>
    tpu.vector_store %arg5[%swap3A_23, %swap3A_24], %broadcast_in_dim3A_22 {strides = array<i32>} : memref<64x128xf32, #tpu.memory_space<vmem>>, vector<1x128xf32>,
    %slice3A_26 = vector.extract_strided_slice %max3A_15 {offsets = [64, 0], sizes = [32, 128], strides = [1, 1]} : vector<2048x128xf32> to vector<32x128xf32>
    %reduce_max3A_27 = arith.constant dense<0xFF800000> : vector<128xf32>
    %reduce_max3A_28 = vector.multi_reduction <maximumf>, %slice3A_26, %reduce_max3A_27 [0] : vector<32x128xf32> to vector<128xf32>
    %broadcast_in_dim3A_29 = vector.shape_cast %reduce_max3A_28 : vector<128xf32> to vector<1x128xf32>
    %swap3A_30 = arith.constant 2 : index
    %swap3A_31 = arith.constant 0 : index
    %swap3A_32 = vector.load %arg5[%swap3A_30, %swap3A_31] : memref<64x128xf32, #tpu.memory_space<vmem>>, vector<1x128xf32>
    tpu.vector_store %arg5[%swap3A_30, %swap3A_31], %broadcast_in_dim3A_29 {strides = array<i32>} : memref<64x128xf32, #tpu.memory_space<vmem>>, vector<1x128xf32>,
    %slice3A_33 = vector.extract_strided_slice %max3A_15 {offsets = [96, 0], sizes = [32, 128], strides = [1, 1]} : vector<2048x128xf32> to vector<32x128xf32>
    %reduce_max3A_34 = arith.constant dense<0xFF800000> : vector<128xf32>
    %reduce_max3A_35 = vector.multi_reduction <maximumf>, %slice3A_33, %reduce_max3A_34 [0] : vector<32x128xf32> to vector<128xf32>
    %broadcast_in_dim3A_36 = vector.shape_cast %reduce_max3A_35 : vector<128xf32> to vector<1x128xf32>
    %swap3A_37 = arith.constant 3 : index
    %swap3A_38 = arith.constant 0 : index
    %swap3A_39 = vector.load %arg5[%swap3A_37, %swap3A_38] : memref<64x128xf32, #tpu.memory_space<vmem>>, vector<1x128xf32>
    tpu.vector_store %arg5[%swap3A_37, %swap3A_38], %broadcast_in_dim3A_36 {strides = array<i32>} : memref<64x128xf32, #tpu.memory_space<vmem>>, vector<1x128xf32>,
    %slice3A_40 = vector.extract_strided_slice %max3A_15 {offsets = [128, 0], sizes = [32, 128], strides = [1, 1]} : vector<2048x128xf32> to vector<32x128xf32>
    %reduce_max3A_41 = arith.constant dense<0xFF800000> : vector<128xf32>
    %reduce_max3A_42 = vector.multi_reduction <maximumf>, %slice3A_40, %reduce_max3A_41 [0] : vector<32x128xf32> to vector<128xf32>
    %broadcast_in_dim3A_43 = vector.shape_cast %reduce_max3A_42 : vector<128xf32> to vector<1x128xf32>
    %swap3A_44 = arith.constant 4 : index
    %swap3A_45 = arith.constant 0 : index
    %swap3A_46 = vector.load %arg5[%swap3A_44, %swap3A_45] : memref<64x128xf32, #tpu.memory_space<vmem>>, vector<1x128xf32>
    tpu.vector_store %arg5[%swap3A_44, %swap3A_45], %broadcast_in_dim3A_43 {strides = array<i32>} : memref<64x128xf32, #tpu.memory_space<vmem>>, vector<1x128xf32>,
    %slice3A_47 = vector.extract_strided_slice %max3A_15 {offsets = [160, 0], sizes = [32, 128], strides = [1, 1]} : vector<2048x128xf32> to vector<32x128xf32>
    %reduce_max3A_48 = arith.constant dense<0xFF800000> : vector<128xf32>
    %reduce_max3A_49 = vector.multi_reduction <maximumf>, %slice3A_47, %reduce_max3A_48 [0] : vector<32x128xf32> to vector<128xf32>
    %broadcast_in_dim3A_50 = vector.shape_cast %reduce_max3A_49 : vector<128xf32> to vector<1x128xf32>
    %swap3A_51 = arith.constant 5 : index
    %swap3A_52 = arith.constant 0 : index
    %swap3A_53 = vector.load %arg5[%swap3A_51, %swap3A_52] : memref<64x128xf32, #tpu.memory_space<vmem>>, vector<1x128xf32>
    tpu.vector_store %arg5[%swap3A_51, %swap3A_52], %broadcast_in_dim3A_50 {strides = array<i32>} : memref<64x128xf32, #tpu.memory_space<vmem>>, vector<1x128xf32>,
    %slice3A_54 = vector.extract_strided_slice %max3A_15 {offsets = [192, 0], sizes = [32, 128], strides = [1, 1]} : vector<2048x128xf32> to vector<32x128xf32>
    %reduce_max3A_55 = arith.constant dense<0xFF800000> : vector<128xf32>
    %reduce_max3A_56 = vector.multi_reduction <maximumf>, %slice3A_54, %reduce_max3A_55 [0] : vector<32x128xf32> to vector<128xf32>
    %broadcast_in_dim3A_57 = vector.shape_cast %reduce_max3A_56 : vector<128xf32> to vector<1x128xf32>
    %swap3A_58 = arith.constant 6 : index
    %swap3A_59 = arith.constant 0 : index
    %swap3A_60 = vector.load %arg5[%swap3A_58, %swap3A_59] : memref<64x128xf32, #tpu.memory_space<vmem>>, vector<1x128xf32>
    tpu.vector_store %arg5[%swap3A_58, %swap3A_59], %broadcast_in_dim3A_57 {strides = array<i32>} : memref<64x128xf32, #tpu.memory_space<vmem>>, vector<1x128xf32>,
    %slice3A_61 = vector.extract_strided_slice %max3A_15 {offsets = [224, 0], sizes = [32, 128], strides = [1, 1]} : vector<2048x128xf32> to vector<32x128xf32>
    %reduce_max3A_62 = arith.constant dense<0xFF800000> : vector<128xf32>
    %reduce_max3A_63 = vector.multi_reduction <maximumf>, %slice3A_61, %reduce_max3A_62 [0] : vector<32x128xf32> to vector<128xf32>
    %broadcast_in_dim3A_64 = vector.shape_cast %reduce_max3A_63 : vector<128xf32> to vector<1x128xf32>
    %swap3A_65 = arith.constant 7 : index
    %swap3A_66 = arith.constant 0 : index
    %swap3A_67 = vector.load %arg5[%swap3A_65, %swap3A_66] : memref<64x128xf32, #tpu.memory_space<vmem>>, vector<1x128xf32>
    tpu.vector_store %arg5[%swap3A_65, %swap3A_66], %broadcast_in_dim3A_64 {strides = array<i32>} : memref<64x128xf32, #tpu.memory_space<vmem>>, vector<1x128xf32>,
    %slice3A_68 = vector.extract_strided_slice %max3A_15 {offsets = [256, 0], sizes = [32, 128], strides = [1, 1]} : vector<2048x128xf32> to vector<32x128xf32>
    %reduce_max3A_69 = arith.constant dense<0xFF800000> : vector<128xf32>
    %reduce_max3A_70 = vector.multi_reduction <maximumf>, %slice3A_68, %reduce_max3A_69 [0] : vector<32x128xf32> to vector<128xf32>
    %broadcast_in_dim3A_71 = vector.shape_cast %reduce_max3A_70 : vector<128xf32> to vector<1x128xf32>
    %swap3A_72 = arith.constant 8 : index
    %swap3A_73 = arith.constant 0 : index
    %swap3A_74 = vector.load %arg5[%swap3A_72, %swap3A_73] : memref<64x128xf32, #tpu.memory_space<vmem>>, vector<1x128xf32>
    tpu.vector_store %arg5[%swap3A_72, %swap3A_73], %broadcast_in_dim3A_71 {strides = array<i32>} : memref<64x128xf32, #tpu.memory_space<vmem>>, vector<1x128xf32>,
    %slice3A_75 = vector.extract_strided_slice %max3A_15 {offsets = [288, 0], sizes = [32, 128], strides = [1, 1]} : vector<2048x128xf32> to vector<32x128xf32>
    %reduce_max3A_76 = arith.constant dense<0xFF800000> : vector<128xf32>
    %reduce_max3A_77 = vector.multi_reduction <maximumf>, %slice3A_75, %reduce_max3A_76 [0] : vector<32x128xf32> to vector<128xf32>
    %broadcast_in_dim3A_78 = vector.shape_cast %reduce_max3A_77 : vector<128xf32> to vector<1x128xf32>
    %swap3A_79 = arith.constant 9 : index
    %swap3A_80 = arith.constant 0 : index
    %swap3A_81 = vector.load %arg5[%swap3A_79, %swap3A_80] : memref<64x128xf32, #tpu.memory_space<vmem>>, vector<1x128xf32>
    tpu.vector_store %arg5[%swap3A_79, %swap3A_80], %broadcast_in_dim3A_78 {strides = array<i32>} : memref<64x128xf32, #tpu.memory_space<vmem>>, vector<1x128xf32>,
    %slice3A_82 = vector.extract_strided_slice %max3A_15 {offsets = [320, 0], sizes = [32, 128], strides = [1, 1]} : vector<2048x128xf32> to vector<32x128xf32>
    %reduce_max3A_83 = arith.constant dense<0xFF800000> : vector<128xf32>
    %reduce_max3A_84 = vector.multi_reduction <maximumf>, %slice3A_82, %reduce_max3A_83 [0] : vector<32x128xf32> to vector<128xf32>
    %broadcast_in_dim3A_85 = vector.shape_cast %reduce_max3A_84 : vector<128xf32> to vector<1x128xf32>
    %swap3A_86 = arith.constant 10 : index
    %swap3A_87 = arith.constant 0 : index
    %swap3A_88 = vector.load %arg5[%swap3A_86, %swap3A_87] : memref<64x128xf32, #tpu.memory_space<vmem>>, vector<1x128xf32>
    tpu.vector_store %arg5[%swap3A_86, %swap3A_87], %broadcast_in_dim3A_85 {strides = array<i32>} : memref<64x128xf32, #tpu.memory_space<vmem>>, vector<1x128xf32>,
    %slice3A_89 = vector.extract_strided_slice %max3A_15 {offsets = [352, 0], sizes = [32, 128], strides = [1, 1]} : vector<2048x128xf32> to vector<32x128xf32>
    %reduce_max3A_90 = arith.constant dense<0xFF800000> : vector<128xf32>
    %reduce_max3A_91 = vector.multi_reduction <maximumf>, %slice3A_89, %reduce_max3A_90 [0] : vector<32x128xf32> to vector<128xf32>
    %broadcast_in_dim3A_92 = vector.shape_cast %reduce_max3A_91 : vector<128xf32> to vector<1x128xf32>
    %swap3A_93 = arith.constant 11 : index
    %swap3A_94 = arith.constant 0 : index
    %swap3A_95 = vector.load %arg5[%swap3A_93, %swap3A_94] : memref<64x128xf32, #tpu.memory_space<vmem>>, vector<1x128xf32>
    tpu.vector_store %arg5[%swap3A_93, %swap3A_94], %broadcast_in_dim3A_92 {strides = array<i32>} : memref<64x128xf32, #tpu.memory_space<vmem>>, vector<1x128xf32>,
    %slice3A_96 = vector.extract_strided_slice %max3A_15 {offsets = [384, 0], sizes = [32, 128], strides = [1, 1]} : vector<2048x128xf32> to vector<32x128xf32>
    %reduce_max3A_97 = arith.constant dense<0xFF800000> : vector<128xf32>
    %reduce_max3A_98 = vector.multi_reduction <maximumf>, %slice3A_96, %reduce_max3A_97 [0] : vector<32x128xf32> to vector<128xf32>
    %broadcast_in_dim3A_99 = vector.shape_cast %reduce_max3A_98 : vector<128xf32> to vector<1x128xf32>
    %swap3A_100 = arith.constant 12 : index
    %swap3A_101 = arith.constant 0 : index
    %swap3A_102 = vector.load %arg5[%swap3A_100, %swap3A_101] : memref<64x128xf32, #tpu.memory_space<vmem>>, vector<1x128xf32>
    tpu.vector_store %arg5[%swap3A_100, %swap3A_101], %broadcast_in_dim3A_99 {strides = array<i32>} : memref<64x128xf32, #tpu.memory_space<vmem>>, vector<1x128xf32>,
    %slice3A_103 = vector.extract_strided_slice %max3A_15 {offsets = [416, 0], sizes = [32, 128], strides = [1, 1]} : vector<2048x128xf32> to vector<32x128xf32>
    %reduce_max3A_104 = arith.constant dense<0xFF800000> : vector<128xf32>
    %reduce_max3A_105 = vector.multi_reduction <maximumf>, %slice3A_103, %reduce_max3A_104 [0] : vector<32x128xf32> to vector<128xf32>
    %broadcast_in_dim3A_106 = vector.shape_cast %reduce_max3A_105 : vector<128xf32> to vector<1x128xf32>
    %swap3A_107 = arith.constant 13 : index
    %swap3A_108 = arith.constant 0 : index
    %swap3A_109 = vector.load %arg5[%swap3A_107, %swap3A_108] : memref<64x128xf32, #tpu.memory_space<vmem>>, vector<1x128xf32>
    tpu.vector_store %arg5[%swap3A_107, %swap3A_108], %broadcast_in_dim3A_106 {strides = array<i32>} : memref<64x128xf32, #tpu.memory_space<vmem>>, vector<1x128xf32>,
    %slice3A_110 = vector.extract_strided_slice %max3A_15 {offsets = [448, 0], sizes = [32, 128], strides = [1, 1]} : vector<2048x128xf32> to vector<32x128xf32>
    %reduce_max3A_111 = arith.constant dense<0xFF800000> : vector<128xf32>
    %reduce_max3A_112 = vector.multi_reduction <maximumf>, %slice3A_110, %reduce_max3A_111 [0] : vector<32x128xf32> to vector<128xf32>
    %broadcast_in_dim3A_113 = vector.shape_cast %reduce_max3A_112 : vector<128xf32> to vector<1x128xf32>
    %swap3A_114 = arith.constant 14 : index
    %swap3A_115 = arith.constant 0 : index
    %swap3A_116 = vector.load %arg5[%swap3A_114, %swap3A_115] : memref<64x128xf32, #tpu.memory_space<vmem>>, vector<1x128xf32>
    tpu.vector_store %arg5[%swap3A_114, %swap3A_115], %broadcast_in_dim3A_113 {strides = array<i32>} : memref<64x128xf32, #tpu.memory_space<vmem>>, vector<1x128xf32>,
    %slice3A_117 = vector.extract_strided_slice %max3A_15 {offsets = [480, 0], sizes = [32, 128], strides = [1, 1]} : vector<2048x128xf32> to vector<32x128xf32>
    %reduce_max3A_118 = arith.constant dense<0xFF800000> : vector<128xf32>
    %reduce_max3A_119 = vector.multi_reduction <maximumf>, %slice3A_117, %reduce_max3A_118 [0] : vector<32x128xf32> to vector<128xf32>
    %broadcast_in_dim3A_120 = vector.shape_cast %reduce_max3A_119 : vector<128xf32> to vector<1x128xf32>
    %swap3A_121 = arith.constant 15 : index
    %swap3A_122 = arith.constant 0 : index
    %swap3A_123 = vector.load %arg5[%swap3A_121, %swap3A_122] : memref<64x128xf32, #tpu.memory_space<vmem>>, vector<1x128xf32>
    tpu.vector_store %arg5[%swap3A_121, %swap3A_122], %broadcast_in_dim3A_120 {strides = array<i32>} : memref<64x128xf32, #tpu.memory_space<vmem>>, vector<1x128xf32>,
    %slice3A_124 = vector.extract_strided_slice %max3A_15 {offsets = [512, 0], sizes = [32, 128], strides = [1, 1]} : vector<2048x128xf32> to vector<32x128xf32>
    %reduce_max3A_125 = arith.constant dense<0xFF800000> : vector<128xf32>
    %reduce_max3A_126 = vector.multi_reduction <maximumf>, %slice3A_124, %reduce_max3A_125 [0] : vector<32x128xf32> to vector<128xf32>
    %broadcast_in_dim3A_127 = vector.shape_cast %reduce_max3A_126 : vector<128xf32> to vector<1x128xf32>
    %swap3A_128 = arith.constant 16 : index
    %swap3A_129 = arith.constant 0 : index
    %swap3A_130 = vector.load %arg5[%swap3A_128, %swap3A_129] : memref<64x128xf32, #tpu.memory_space<vmem>>, vector<1x128xf32>
    tpu.vector_store %arg5[%swap3A_128, %swap3A_129], %broadcast_in_dim3A_127 {strides = array<i32>} : memref<64x128xf32, #tpu.memory_space<vmem>>, vector<1x128xf32>,
    %slice3A_131 = vector.extract_strided_slice %max3A_15 {offsets = [544, 0], sizes = [32, 128], strides = [1, 1]} : vector<2048x128xf32> to vector<32x128xf32>
    %reduce_max3A_132 = arith.constant dense<0xFF800000> : vector<128xf32>
    %reduce_max3A_133 = vector.multi_reduction <maximumf>, %slice3A_131, %reduce_max3A_132 [0] : vector<32x128xf32> to vector<128xf32>
    %broadcast_in_dim3A_134 = vector.shape_cast %reduce_max3A_133 : vector<128xf32> to vector<1x128xf32>
    %swap3A_135 = arith.constant 17 : index
    %swap3A_136 = arith.constant 0 : index
    %swap3A_137 = vector.load %arg5[%swap3A_135, %swap3A_136] : memref<64x128xf32, #tpu.memory_space<vmem>>, vector<1x128xf32>
    tpu.vector_store %arg5[%swap3A_135, %swap3A_136], %broadcast_in_dim3A_134 {strides = array<i32>} : memref<64x128xf32, #tpu.memory_space<vmem>>, vector<1x128xf32>,
    %slice3A_138 = vector.extract_strided_slice %max3A_15 {offsets = [576, 0], sizes = [32, 128], strides = [1, 1]} : vector<2048x128xf32> to vector<32x128xf32>
    %reduce_max3A_139 = arith.constant dense<0xFF800000> : vector<128xf32>
    %reduce_max3A_140 = vector.multi_reduction <maximumf>, %slice3A_138, %reduce_max3A_139 [0] : vector<32x128xf32> to vector<128xf32>
    %broadcast_in_dim3A_141 = vector.shape_cast %reduce_max3A_140 : vector<128xf32> to vector<1x128xf32>
    %swap3A_142 = arith.constant 18 : index
    %swap3A_143 = arith.constant 0 : index
    %swap3A_144 = vector.load %arg5[%swap3A_142, %swap3A_143] : memref<64x128xf32, #tpu.memory_space<vmem>>, vector<1x128xf32>
    tpu.vector_store %arg5[%swap3A_142, %swap3A_143], %broadcast_in_dim3A_141 {strides = array<i32>} : memref<64x128xf32, #tpu.memory_space<vmem>>, vector<1x128xf32>,
    %slice3A_145 = vector.extract_strided_slice %max3A_15 {offsets = [608, 0], sizes = [32, 128], strides = [1, 1]} : vector<2048x128xf32> to vector<32x128xf32>
    %reduce_max3A_146 = arith.constant dense<0xFF800000> : vector<128xf32>
    %reduce_max3A_147 = vector.multi_reduction <maximumf>, %slice3A_145, %reduce_max3A_146 [0] : vector<32x128xf32> to vector<128xf32>
    %broadcast_in_dim3A_148 = vector.shape_cast %reduce_max3A_147 : vector<128xf32> to vector<1x128xf32>
    %swap3A_149 = arith.constant 19 : index
    %swap3A_150 = arith.constant 0 : index
    %swap3A_151 = vector.load %arg5[%swap3A_149, %swap3A_150] : memref<64x128xf32, #tpu.memory_space<vmem>>, vector<1x128xf32>
    tpu.vector_store %arg5[%swap3A_149, %swap3A_150], %broadcast_in_dim3A_148 {strides = array<i32>} : memref<64x128xf32, #tpu.memory_space<vmem>>, vector<1x128xf32>,
    %slice3A_152 = vector.extract_strided_slice %max3A_15 {offsets = [640, 0], sizes = [32, 128], strides = [1, 1]} : vector<2048x128xf32> to vector<32x128xf32>
    %reduce_max3A_153 = arith.constant dense<0xFF800000> : vector<128xf32>
    %reduce_max3A_154 = vector.multi_reduction <maximumf>, %slice3A_152, %reduce_max3A_153 [0] : vector<32x128xf32> to vector<128xf32>
    %broadcast_in_dim3A_155 = vector.shape_cast %reduce_max3A_154 : vector<128xf32> to vector<1x128xf32>
    %swap3A_156 = arith.constant 20 : index
    %swap3A_157 = arith.constant 0 : index
    %swap3A_158 = vector.load %arg5[%swap3A_156, %swap3A_157] : memref<64x128xf32, #tpu.memory_space<vmem>>, vector<1x128xf32>
    tpu.vector_store %arg5[%swap3A_156, %swap3A_157], %broadcast_in_dim3A_155 {strides = array<i32>} : memref<64x128xf32, #tpu.memory_space<vmem>>, vector<1x128xf32>,
    %slice3A_159 = vector.extract_strided_slice %max3A_15 {offsets = [672, 0], sizes = [32, 128], strides = [1, 1]} : vector<2048x128xf32> to vector<32x128xf32>
    %reduce_max3A_160 = arith.constant dense<0xFF800000> : vector<128xf32>
    %reduce_max3A_161 = vector.multi_reduction <maximumf>, %slice3A_159, %reduce_max3A_160 [0] : vector<32x128xf32> to vector<128xf32>
    %broadcast_in_dim3A_162 = vector.shape_cast %reduce_max3A_161 : vector<128xf32> to vector<1x128xf32>
    %swap3A_163 = arith.constant 21 : index
    %swap3A_164 = arith.constant 0 : index
    %swap3A_165 = vector.load %arg5[%swap3A_163, %swap3A_164] : memref<64x128xf32, #tpu.memory_space<vmem>>, vector<1x128xf32>
    tpu.vector_store %arg5[%swap3A_163, %swap3A_164], %broadcast_in_dim3A_162 {strides = array<i32>} : memref<64x128xf32, #tpu.memory_space<vmem>>, vector<1x128xf32>,
    %slice3A_166 = vector.extract_strided_slice %max3A_15 {offsets = [704, 0], sizes = [32, 128], strides = [1, 1]} : vector<2048x128xf32> to vector<32x128xf32>
    %reduce_max3A_167 = arith.constant dense<0xFF800000> : vector<128xf32>
    %reduce_max3A_168 = vector.multi_reduction <maximumf>, %slice3A_166, %reduce_max3A_167 [0] : vector<32x128xf32> to vector<128xf32>
    %broadcast_in_dim3A_169 = vector.shape_cast %reduce_max3A_168 : vector<128xf32> to vector<1x128xf32>
    %swap3A_170 = arith.constant 22 : index
    %swap3A_171 = arith.constant 0 : index
    %swap3A_172 = vector.load %arg5[%swap3A_170, %swap3A_171] : memref<64x128xf32, #tpu.memory_space<vmem>>, vector<1x128xf32>
    tpu.vector_store %arg5[%swap3A_170, %swap3A_171], %broadcast_in_dim3A_169 {strides = array<i32>} : memref<64x128xf32, #tpu.memory_space<vmem>>, vector<1x128xf32>,
    %slice3A_173 = vector.extract_strided_slice %max3A_15 {offsets = [736, 0], sizes = [32, 128], strides = [1, 1]} : vector<2048x128xf32> to vector<32x128xf32>
    %reduce_max3A_174 = arith.constant dense<0xFF800000> : vector<128xf32>
    %reduce_max3A_175 = vector.multi_reduction <maximumf>, %slice3A_173, %reduce_max3A_174 [0] : vector<32x128xf32> to vector<128xf32>
    %broadcast_in_dim3A_176 = vector.shape_cast %reduce_max3A_175 : vector<128xf32> to vector<1x128xf32>
    %swap3A_177 = arith.constant 23 : index
    %swap3A_178 = arith.constant 0 : index
    %swap3A_179 = vector.load %arg5[%swap3A_177, %swap3A_178] : memref<64x128xf32, #tpu.memory_space<vmem>>, vector<1x128xf32>
    tpu.vector_store %arg5[%swap3A_177, %swap3A_178], %broadcast_in_dim3A_176 {strides = array<i32>} : memref<64x128xf32, #tpu.memory_space<vmem>>, vector<1x128xf32>,
    %slice3A_180 = vector.extract_strided_slice %max3A_15 {offsets = [768, 0], sizes = [32, 128], strides = [1, 1]} : vector<2048x128xf32> to vector<32x128xf32>
    %reduce_max3A_181 = arith.constant dense<0xFF800000> : vector<128xf32>
    %reduce_max3A_182 = vector.multi_reduction <maximumf>, %slice3A_180, %reduce_max3A_181 [0] : vector<32x128xf32> to vector<128xf32>
    %broadcast_in_dim3A_183 = vector.shape_cast %reduce_max3A_182 : vector<128xf32> to vector<1x128xf32>
    %swap3A_184 = arith.constant 24 : index
    %swap3A_185 = arith.constant 0 : index
    %swap3A_186 = vector.load %arg5[%swap3A_184, %swap3A_185] : memref<64x128xf32, #tpu.memory_space<vmem>>, vector<1x128xf32>
    tpu.vector_store %arg5[%swap3A_184, %swap3A_185], %broadcast_in_dim3A_183 {strides = array<i32>} : memref<64x128xf32, #tpu.memory_space<vmem>>, vector<1x128xf32>,
    %slice3A_187 = vector.extract_strided_slice %max3A_15 {offsets = [800, 0], sizes = [32, 128], strides = [1, 1]} : vector<2048x128xf32> to vector<32x128xf32>
    %reduce_max3A_188 = arith.constant dense<0xFF800000> : vector<128xf32>
    %reduce_max3A_189 = vector.multi_reduction <maximumf>, %slice3A_187, %reduce_max3A_188 [0] : vector<32x128xf32> to vector<128xf32>
    %broadcast_in_dim3A_190 = vector.shape_cast %reduce_max3A_189 : vector<128xf32> to vector<1x128xf32>
    %swap3A_191 = arith.constant 25 : index
    %swap3A_192 = arith.constant 0 : index
    %swap3A_193 = vector.load %arg5[%swap3A_191, %swap3A_192] : memref<64x128xf32, #tpu.memory_space<vmem>>, vector<1x128xf32>
    tpu.vector_store %arg5[%swap3A_191, %swap3A_192], %broadcast_in_dim3A_190 {strides = array<i32>} : memref<64x128xf32, #tpu.memory_space<vmem>>, vector<1x128xf32>,
    %slice3A_194 = vector.extract_strided_slice %max3A_15 {offsets = [832, 0], sizes = [32, 128], strides = [1, 1]} : vector<2048x128xf32> to vector<32x128xf32>
    %reduce_max3A_195 = arith.constant dense<0xFF800000> : vector<128xf32>
    %reduce_max3A_196 = vector.multi_reduction <maximumf>, %slice3A_194, %reduce_max3A_195 [0] : vector<32x128xf32> to vector<128xf32>
    %broadcast_in_dim3A_197 = vector.shape_cast %reduce_max3A_196 : vector<128xf32> to vector<1x128xf32>
    %swap3A_198 = arith.constant 26 : index
    %swap3A_199 = arith.constant 0 : index
    %swap3A_200 = vector.load %arg5[%swap3A_198, %swap3A_199] : memref<64x128xf32, #tpu.memory_space<vmem>>, vector<1x128xf32>
    tpu.vector_store %arg5[%swap3A_198, %swap3A_199], %broadcast_in_dim3A_197 {strides = array<i32>} : memref<64x128xf32, #tpu.memory_space<vmem>>, vector<1x128xf32>,
    %slice3A_201 = vector.extract_strided_slice %max3A_15 {offsets = [864, 0], sizes = [32, 128], strides = [1, 1]} : vector<2048x128xf32> to vector<32x128xf32>
    %reduce_max3A_202 = arith.constant dense<0xFF800000> : vector<128xf32>
    %reduce_max3A_203 = vector.multi_reduction <maximumf>, %slice3A_201, %reduce_max3A_202 [0] : vector<32x128xf32> to vector<128xf32>
    %broadcast_in_dim3A_204 = vector.shape_cast %reduce_max3A_203 : vector<128xf32> to vector<1x128xf32>
    %swap3A_205 = arith.constant 27 : index
    %swap3A_206 = arith.constant 0 : index
    %swap3A_207 = vector.load %arg5[%swap3A_205, %swap3A_206] : memref<64x128xf32, #tpu.memory_space<vmem>>, vector<1x128xf32>
    tpu.vector_store %arg5[%swap3A_205, %swap3A_206], %broadcast_in_dim3A_204 {strides = array<i32>} : memref<64x128xf32, #tpu.memory_space<vmem>>, vector<1x128xf32>,
    %slice3A_208 = vector.extract_strided_slice %max3A_15 {offsets = [896, 0], sizes = [32, 128], strides = [1, 1]} : vector<2048x128xf32> to vector<32x128xf32>
    %reduce_max3A_209 = arith.constant dense<0xFF800000> : vector<128xf32>
    %reduce_max3A_210 = vector.multi_reduction <maximumf>, %slice3A_208, %reduce_max3A_209 [0] : vector<32x128xf32> to vector<128xf32>
    %broadcast_in_dim3A_211 = vector.shape_cast %reduce_max3A_210 : vector<128xf32> to vector<1x128xf32>
    %swap3A_212 = arith.constant 28 : index
    %swap3A_213 = arith.constant 0 : index
    %swap3A_214 = vector.load %arg5[%swap3A_212, %swap3A_213] : memref<64x128xf32, #tpu.memory_space<vmem>>, vector<1x128xf32>
    tpu.vector_store %arg5[%swap3A_212, %swap3A_213], %broadcast_in_dim3A_211 {strides = array<i32>} : memref<64x128xf32, #tpu.memory_space<vmem>>, vector<1x128xf32>,
    %slice3A_215 = vector.extract_strided_slice %max3A_15 {offsets = [928, 0], sizes = [32, 128], strides = [1, 1]} : vector<2048x128xf32> to vector<32x128xf32>
    %reduce_max3A_216 = arith.constant dense<0xFF800000> : vector<128xf32>
    %reduce_max3A_217 = vector.multi_reduction <maximumf>, %slice3A_215, %reduce_max3A_216 [0] : vector<32x128xf32> to vector<128xf32>
    %broadcast_in_dim3A_218 = vector.shape_cast %reduce_max3A_217 : vector<128xf32> to vector<1x128xf32>
    %swap3A_219 = arith.constant 29 : index
    %swap3A_220 = arith.constant 0 : index
    %swap3A_221 = vector.load %arg5[%swap3A_219, %swap3A_220] : memref<64x128xf32, #tpu.memory_space<vmem>>, vector<1x128xf32>
    tpu.vector_store %arg5[%swap3A_219, %swap3A_220], %broadcast_in_dim3A_218 {strides = array<i32>} : memref<64x128xf32, #tpu.memory_space<vmem>>, vector<1x128xf32>,
    %slice3A_222 = vector.extract_strided_slice %max3A_15 {offsets = [960, 0], sizes = [32, 128], strides = [1, 1]} : vector<2048x128xf32> to vector<32x128xf32>
    %reduce_max3A_223 = arith.constant dense<0xFF800000> : vector<128xf32>
    %reduce_max3A_224 = vector.multi_reduction <maximumf>, %slice3A_222, %reduce_max3A_223 [0] : vector<32x128xf32> to vector<128xf32>
    %broadcast_in_dim3A_225 = vector.shape_cast %reduce_max3A_224 : vector<128xf32> to vector<1x128xf32>
    %swap3A_226 = arith.constant 30 : index
    %swap3A_227 = arith.constant 0 : index
    %swap3A_228 = vector.load %arg5[%swap3A_226, %swap3A_227] : memref<64x128xf32, #tpu.memory_space<vmem>>, vector<1x128xf32>
    tpu.vector_store %arg5[%swap3A_226, %swap3A_227], %broadcast_in_dim3A_225 {strides = array<i32>} : memref<64x128xf32, #tpu.memory_space<vmem>>, vector<1x128xf32>,
    %slice3A_229 = vector.extract_strided_slice %max3A_15 {offsets = [992, 0], sizes = [32, 128], strides = [1, 1]} : vector<2048x128xf32> to vector<32x128xf32>
    %reduce_max3A_230 = arith.constant dense<0xFF800000> : vector<128xf32>
    %reduce_max3A_231 = vector.multi_reduction <maximumf>, %slice3A_229, %reduce_max3A_230 [0] : vector<32x128xf32> to vector<128xf32>
    %broadcast_in_dim3A_232 = vector.shape_cast %reduce_max3A_231 : vector<128xf32> to vector<1x128xf32>
    %swap3A_233 = arith.constant 31 : index
    %swap3A_234 = arith.constant 0 : index
    %swap3A_235 = vector.load %arg5[%swap3A_233, %swap3A_234] : memref<64x128xf32, #tpu.memory_space<vmem>>, vector<1x128xf32>
    tpu.vector_store %arg5[%swap3A_233, %swap3A_234], %broadcast_in_dim3A_232 {strides = array<i32>} : memref<64x128xf32, #tpu.memory_space<vmem>>, vector<1x128xf32>,
    %slice3A_236 = vector.extract_strided_slice %max3A_15 {offsets = [1024, 0], sizes = [32, 128], strides = [1, 1]} : vector<2048x128xf32> to vector<32x128xf32>
    %reduce_max3A_237 = arith.constant dense<0xFF800000> : vector<128xf32>
    %reduce_max3A_238 = vector.multi_reduction <maximumf>, %slice3A_236, %reduce_max3A_237 [0] : vector<32x128xf32> to vector<128xf32>
    %broadcast_in_dim3A_239 = vector.shape_cast %reduce_max3A_238 : vector<128xf32> to vector<1x128xf32>
    %swap3A_240 = arith.constant 32 : index
    %swap3A_241 = arith.constant 0 : index
    %swap3A_242 = vector.load %arg5[%swap3A_240, %swap3A_241] : memref<64x128xf32, #tpu.memory_space<vmem>>, vector<1x128xf32>
    tpu.vector_store %arg5[%swap3A_240, %swap3A_241], %broadcast_in_dim3A_239 {strides = array<i32>} : memref<64x128xf32, #tpu.memory_space<vmem>>, vector<1x128xf32>,
    %slice3A_243 = vector.extract_strided_slice %max3A_15 {offsets = [1056, 0], sizes = [32, 128], strides = [1, 1]} : vector<2048x128xf32> to vector<32x128xf32>
    %reduce_max3A_244 = arith.constant dense<0xFF800000> : vector<128xf32>
    %reduce_max3A_245 = vector.multi_reduction <maximumf>, %slice3A_243, %reduce_max3A_244 [0] : vector<32x128xf32> to vector<128xf32>
    %broadcast_in_dim3A_246 = vector.shape_cast %reduce_max3A_245 : vector<128xf32> to vector<1x128xf32>
    %swap3A_247 = arith.constant 33 : index
    %swap3A_248 = arith.constant 0 : index
    %swap3A_249 = vector.load %arg5[%swap3A_247, %swap3A_248] : memref<64x128xf32, #tpu.memory_space<vmem>>, vector<1x128xf32>
    tpu.vector_store %arg5[%swap3A_247, %swap3A_248], %broadcast_in_dim3A_246 {strides = array<i32>} : memref<64x128xf32, #tpu.memory_space<vmem>>, vector<1x128xf32>,
    %slice3A_250 = vector.extract_strided_slice %max3A_15 {offsets = [1088, 0], sizes = [32, 128], strides = [1, 1]} : vector<2048x128xf32> to vector<32x128xf32>
    %reduce_max3A_251 = arith.constant dense<0xFF800000> : vector<128xf32>
    %reduce_max3A_252 = vector.multi_reduction <maximumf>, %slice3A_250, %reduce_max3A_251 [0] : vector<32x128xf32> to vector<128xf32>
    %broadcast_in_dim3A_253 = vector.shape_cast %reduce_max3A_252 : vector<128xf32> to vector<1x128xf32>
    %swap3A_254 = arith.constant 34 : index
    %swap3A_255 = arith.constant 0 : index
    %swap3A_256 = vector.load %arg5[%swap3A_254, %swap3A_255] : memref<64x128xf32, #tpu.memory_space<vmem>>, vector<1x128xf32>
    tpu.vector_store %arg5[%swap3A_254, %swap3A_255], %broadcast_in_dim3A_253 {strides = array<i32>} : memref<64x128xf32, #tpu.memory_space<vmem>>, vector<1x128xf32>,
    %slice3A_257 = vector.extract_strided_slice %max3A_15 {offsets = [1120, 0], sizes = [32, 128], strides = [1, 1]} : vector<2048x128xf32> to vector<32x128xf32>
    %reduce_max3A_258 = arith.constant dense<0xFF800000> : vector<128xf32>
    %reduce_max3A_259 = vector.multi_reduction <maximumf>, %slice3A_257, %reduce_max3A_258 [0] : vector<32x128xf32> to vector<128xf32>
    %broadcast_in_dim3A_260 = vector.shape_cast %reduce_max3A_259 : vector<128xf32> to vector<1x128xf32>
    %swap3A_261 = arith.constant 35 : index
    %swap3A_262 = arith.constant 0 : index
    %swap3A_263 = vector.load %arg5[%swap3A_261, %swap3A_262] : memref<64x128xf32, #tpu.memory_space<vmem>>, vector<1x128xf32>
    tpu.vector_store %arg5[%swap3A_261, %swap3A_262], %broadcast_in_dim3A_260 {strides = array<i32>} : memref<64x128xf32, #tpu.memory_space<vmem>>, vector<1x128xf32>,
    %slice3A_264 = vector.extract_strided_slice %max3A_15 {offsets = [1152, 0], sizes = [32, 128], strides = [1, 1]} : vector<2048x128xf32> to vector<32x128xf32>
    %reduce_max3A_265 = arith.constant dense<0xFF800000> : vector<128xf32>
    %reduce_max3A_266 = vector.multi_reduction <maximumf>, %slice3A_264, %reduce_max3A_265 [0] : vector<32x128xf32> to vector<128xf32>
    %broadcast_in_dim3A_267 = vector.shape_cast %reduce_max3A_266 : vector<128xf32> to vector<1x128xf32>
    %swap3A_268 = arith.constant 36 : index
    %swap3A_269 = arith.constant 0 : index
    %swap3A_270 = vector.load %arg5[%swap3A_268, %swap3A_269] : memref<64x128xf32, #tpu.memory_space<vmem>>, vector<1x128xf32>
    tpu.vector_store %arg5[%swap3A_268, %swap3A_269], %broadcast_in_dim3A_267 {strides = array<i32>} : memref<64x128xf32, #tpu.memory_space<vmem>>, vector<1x128xf32>,
    %slice3A_271 = vector.extract_strided_slice %max3A_15 {offsets = [1184, 0], sizes = [32, 128], strides = [1, 1]} : vector<2048x128xf32> to vector<32x128xf32>
    %reduce_max3A_272 = arith.constant dense<0xFF800000> : vector<128xf32>
    %reduce_max3A_273 = vector.multi_reduction <maximumf>, %slice3A_271, %reduce_max3A_272 [0] : vector<32x128xf32> to vector<128xf32>
    %broadcast_in_dim3A_274 = vector.shape_cast %reduce_max3A_273 : vector<128xf32> to vector<1x128xf32>
    %swap3A_275 = arith.constant 37 : index
    %swap3A_276 = arith.constant 0 : index
    %swap3A_277 = vector.load %arg5[%swap3A_275, %swap3A_276] : memref<64x128xf32, #tpu.memory_space<vmem>>, vector<1x128xf32>
    tpu.vector_store %arg5[%swap3A_275, %swap3A_276], %broadcast_in_dim3A_274 {strides = array<i32>} : memref<64x128xf32, #tpu.memory_space<vmem>>, vector<1x128xf32>,
    %slice3A_278 = vector.extract_strided_slice %max3A_15 {offsets = [1216, 0], sizes = [32, 128], strides = [1, 1]} : vector<2048x128xf32> to vector<32x128xf32>
    %reduce_max3A_279 = arith.constant dense<0xFF800000> : vector<128xf32>
    %reduce_max3A_280 = vector.multi_reduction <maximumf>, %slice3A_278, %reduce_max3A_279 [0] : vector<32x128xf32> to vector<128xf32>
    %broadcast_in_dim3A_281 = vector.shape_cast %reduce_max3A_280 : vector<128xf32> to vector<1x128xf32>
    %swap3A_282 = arith.constant 38 : index
    %swap3A_283 = arith.constant 0 : index
    %swap3A_284 = vector.load %arg5[%swap3A_282, %swap3A_283] : memref<64x128xf32, #tpu.memory_space<vmem>>, vector<1x128xf32>
    tpu.vector_store %arg5[%swap3A_282, %swap3A_283], %broadcast_in_dim3A_281 {strides = array<i32>} : memref<64x128xf32, #tpu.memory_space<vmem>>, vector<1x128xf32>,
    %slice3A_285 = vector.extract_strided_slice %max3A_15 {offsets = [1248, 0], sizes = [32, 128], strides = [1, 1]} : vector<2048x128xf32> to vector<32x128xf32>
    %reduce_max3A_286 = arith.constant dense<0xFF800000> : vector<128xf32>
    %reduce_max3A_287 = vector.multi_reduction <maximumf>, %slice3A_285, %reduce_max3A_286 [0] : vector<32x128xf32> to vector<128xf32>
    %broadcast_in_dim3A_288 = vector.shape_cast %reduce_max3A_287 : vector<128xf32> to vector<1x128xf32>
    %swap3A_289 = arith.constant 39 : index
    %swap3A_290 = arith.constant 0 : index
    %swap3A_291 = vector.load %arg5[%swap3A_289, %swap3A_290] : memref<64x128xf32, #tpu.memory_space<vmem>>, vector<1x128xf32>
    tpu.vector_store %arg5[%swap3A_289, %swap3A_290], %broadcast_in_dim3A_288 {strides = array<i32>} : memref<64x128xf32, #tpu.memory_space<vmem>>, vector<1x128xf32>,
    %slice3A_292 = vector.extract_strided_slice %max3A_15 {offsets = [1280, 0], sizes = [32, 128], strides = [1, 1]} : vector<2048x128xf32> to vector<32x128xf32>
    %reduce_max3A_293 = arith.constant dense<0xFF800000> : vector<128xf32>
    %reduce_max3A_294 = vector.multi_reduction <maximumf>, %slice3A_292, %reduce_max3A_293 [0] : vector<32x128xf32> to vector<128xf32>
    %broadcast_in_dim3A_295 = vector.shape_cast %reduce_max3A_294 : vector<128xf32> to vector<1x128xf32>
    %swap3A_296 = arith.constant 40 : index
    %swap3A_297 = arith.constant 0 : index
    %swap3A_298 = vector.load %arg5[%swap3A_296, %swap3A_297] : memref<64x128xf32, #tpu.memory_space<vmem>>, vector<1x128xf32>
    tpu.vector_store %arg5[%swap3A_296, %swap3A_297], %broadcast_in_dim3A_295 {strides = array<i32>} : memref<64x128xf32, #tpu.memory_space<vmem>>, vector<1x128xf32>,
    %slice3A_299 = vector.extract_strided_slice %max3A_15 {offsets = [1312, 0], sizes = [32, 128], strides = [1, 1]} : vector<2048x128xf32> to vector<32x128xf32>
    %reduce_max3A_300 = arith.constant dense<0xFF800000> : vector<128xf32>
    %reduce_max3A_301 = vector.multi_reduction <maximumf>, %slice3A_299, %reduce_max3A_300 [0] : vector<32x128xf32> to vector<128xf32>
    %broadcast_in_dim3A_302 = vector.shape_cast %reduce_max3A_301 : vector<128xf32> to vector<1x128xf32>
    %swap3A_303 = arith.constant 41 : index
    %swap3A_304 = arith.constant 0 : index
    %swap3A_305 = vector.load %arg5[%swap3A_303, %swap3A_304] : memref<64x128xf32, #tpu.memory_space<vmem>>, vector<1x128xf32>
    tpu.vector_store %arg5[%swap3A_303, %swap3A_304], %broadcast_in_dim3A_302 {strides = array<i32>} : memref<64x128xf32, #tpu.memory_space<vmem>>, vector<1x128xf32>,
    %slice3A_306 = vector.extract_strided_slice %max3A_15 {offsets = [1344, 0], sizes = [32, 128], strides = [1, 1]} : vector<2048x128xf32> to vector<32x128xf32>
    %reduce_max3A_307 = arith.constant dense<0xFF800000> : vector<128xf32>
    %reduce_max3A_308 = vector.multi_reduction <maximumf>, %slice3A_306, %reduce_max3A_307 [0] : vector<32x128xf32> to vector<128xf32>
    %broadcast_in_dim3A_309 = vector.shape_cast %reduce_max3A_308 : vector<128xf32> to vector<1x128xf32>
    %swap3A_310 = arith.constant 42 : index
    %swap3A_311 = arith.constant 0 : index
    %swap3A_312 = vector.load %arg5[%swap3A_310, %swap3A_311] : memref<64x128xf32, #tpu.memory_space<vmem>>, vector<1x128xf32>
    tpu.vector_store %arg5[%swap3A_310, %swap3A_311], %broadcast_in_dim3A_309 {strides = array<i32>} : memref<64x128xf32, #tpu.memory_space<vmem>>, vector<1x128xf32>,
    %slice3A_313 = vector.extract_strided_slice %max3A_15 {offsets = [1376, 0], sizes = [32, 128], strides = [1, 1]} : vector<2048x128xf32> to vector<32x128xf32>
    %reduce_max3A_314 = arith.constant dense<0xFF800000> : vector<128xf32>
    %reduce_max3A_315 = vector.multi_reduction <maximumf>, %slice3A_313, %reduce_max3A_314 [0] : vector<32x128xf32> to vector<128xf32>
    %broadcast_in_dim3A_316 = vector.shape_cast %reduce_max3A_315 : vector<128xf32> to vector<1x128xf32>
    %swap3A_317 = arith.constant 43 : index
    %swap3A_318 = arith.constant 0 : index
    %swap3A_319 = vector.load %arg5[%swap3A_317, %swap3A_318] : memref<64x128xf32, #tpu.memory_space<vmem>>, vector<1x128xf32>
    tpu.vector_store %arg5[%swap3A_317, %swap3A_318], %broadcast_in_dim3A_316 {strides = array<i32>} : memref<64x128xf32, #tpu.memory_space<vmem>>, vector<1x128xf32>,
    %slice3A_320 = vector.extract_strided_slice %max3A_15 {offsets = [1408, 0], sizes = [32, 128], strides = [1, 1]} : vector<2048x128xf32> to vector<32x128xf32>
    %reduce_max3A_321 = arith.constant dense<0xFF800000> : vector<128xf32>
    %reduce_max3A_322 = vector.multi_reduction <maximumf>, %slice3A_320, %reduce_max3A_321 [0] : vector<32x128xf32> to vector<128xf32>
    %broadcast_in_dim3A_323 = vector.shape_cast %reduce_max3A_322 : vector<128xf32> to vector<1x128xf32>
    %swap3A_324 = arith.constant 44 : index
    %swap3A_325 = arith.constant 0 : index
    %swap3A_326 = vector.load %arg5[%swap3A_324, %swap3A_325] : memref<64x128xf32, #tpu.memory_space<vmem>>, vector<1x128xf32>
    tpu.vector_store %arg5[%swap3A_324, %swap3A_325], %broadcast_in_dim3A_323 {strides = array<i32>} : memref<64x128xf32, #tpu.memory_space<vmem>>, vector<1x128xf32>,
    %slice3A_327 = vector.extract_strided_slice %max3A_15 {offsets = [1440, 0], sizes = [32, 128], strides = [1, 1]} : vector<2048x128xf32> to vector<32x128xf32>
    %reduce_max3A_328 = arith.constant dense<0xFF800000> : vector<128xf32>
    %reduce_max3A_329 = vector.multi_reduction <maximumf>, %slice3A_327, %reduce_max3A_328 [0] : vector<32x128xf32> to vector<128xf32>
    %broadcast_in_dim3A_330 = vector.shape_cast %reduce_max3A_329 : vector<128xf32> to vector<1x128xf32>
    %swap3A_331 = arith.constant 45 : index
    %swap3A_332 = arith.constant 0 : index
    %swap3A_333 = vector.load %arg5[%swap3A_331, %swap3A_332] : memref<64x128xf32, #tpu.memory_space<vmem>>, vector<1x128xf32>
    tpu.vector_store %arg5[%swap3A_331, %swap3A_332], %broadcast_in_dim3A_330 {strides = array<i32>} : memref<64x128xf32, #tpu.memory_space<vmem>>, vector<1x128xf32>,
    %slice3A_334 = vector.extract_strided_slice %max3A_15 {offsets = [1472, 0], sizes = [32, 128], strides = [1, 1]} : vector<2048x128xf32> to vector<32x128xf32>
    %reduce_max3A_335 = arith.constant dense<0xFF800000> : vector<128xf32>
    %reduce_max3A_336 = vector.multi_reduction <maximumf>, %slice3A_334, %reduce_max3A_335 [0] : vector<32x128xf32> to vector<128xf32>
    %broadcast_in_dim3A_337 = vector.shape_cast %reduce_max3A_336 : vector<128xf32> to vector<1x128xf32>
    %swap3A_338 = arith.constant 46 : index
    %swap3A_339 = arith.constant 0 : index
    %swap3A_340 = vector.load %arg5[%swap3A_338, %swap3A_339] : memref<64x128xf32, #tpu.memory_space<vmem>>, vector<1x128xf32>
    tpu.vector_store %arg5[%swap3A_338, %swap3A_339], %broadcast_in_dim3A_337 {strides = array<i32>} : memref<64x128xf32, #tpu.memory_space<vmem>>, vector<1x128xf32>,
    %slice3A_341 = vector.extract_strided_slice %max3A_15 {offsets = [1504, 0], sizes = [32, 128], strides = [1, 1]} : vector<2048x128xf32> to vector<32x128xf32>
    %reduce_max3A_342 = arith.constant dense<0xFF800000> : vector<128xf32>
    %reduce_max3A_343 = vector.multi_reduction <maximumf>, %slice3A_341, %reduce_max3A_342 [0] : vector<32x128xf32> to vector<128xf32>
    %broadcast_in_dim3A_344 = vector.shape_cast %reduce_max3A_343 : vector<128xf32> to vector<1x128xf32>
    %swap3A_345 = arith.constant 47 : index
    %swap3A_346 = arith.constant 0 : index
    %swap3A_347 = vector.load %arg5[%swap3A_345, %swap3A_346] : memref<64x128xf32, #tpu.memory_space<vmem>>, vector<1x128xf32>
    tpu.vector_store %arg5[%swap3A_345, %swap3A_346], %broadcast_in_dim3A_344 {strides = array<i32>} : memref<64x128xf32, #tpu.memory_space<vmem>>, vector<1x128xf32>,
    %slice3A_348 = vector.extract_strided_slice %max3A_15 {offsets = [1536, 0], sizes = [32, 128], strides = [1, 1]} : vector<2048x128xf32> to vector<32x128xf32>
    %reduce_max3A_349 = arith.constant dense<0xFF800000> : vector<128xf32>
    %reduce_max3A_350 = vector.multi_reduction <maximumf>, %slice3A_348, %reduce_max3A_349 [0] : vector<32x128xf32> to vector<128xf32>
    %broadcast_in_dim3A_351 = vector.shape_cast %reduce_max3A_350 : vector<128xf32> to vector<1x128xf32>
    %swap3A_352 = arith.constant 48 : index
    %swap3A_353 = arith.constant 0 : index
    %swap3A_354 = vector.load %arg5[%swap3A_352, %swap3A_353] : memref<64x128xf32, #tpu.memory_space<vmem>>, vector<1x128xf32>
    tpu.vector_store %arg5[%swap3A_352, %swap3A_353], %broadcast_in_dim3A_351 {strides = array<i32>} : memref<64x128xf32, #tpu.memory_space<vmem>>, vector<1x128xf32>,
    %slice3A_355 = vector.extract_strided_slice %max3A_15 {offsets = [1568, 0], sizes = [32, 128], strides = [1, 1]} : vector<2048x128xf32> to vector<32x128xf32>
    %reduce_max3A_356 = arith.constant dense<0xFF800000> : vector<128xf32>
    %reduce_max3A_357 = vector.multi_reduction <maximumf>, %slice3A_355, %reduce_max3A_356 [0] : vector<32x128xf32> to vector<128xf32>
    %broadcast_in_dim3A_358 = vector.shape_cast %reduce_max3A_357 : vector<128xf32> to vector<1x128xf32>
    %swap3A_359 = arith.constant 49 : index
    %swap3A_360 = arith.constant 0 : index
    %swap3A_361 = vector.load %arg5[%swap3A_359, %swap3A_360] : memref<64x128xf32, #tpu.memory_space<vmem>>, vector<1x128xf32>
    tpu.vector_store %arg5[%swap3A_359, %swap3A_360], %broadcast_in_dim3A_358 {strides = array<i32>} : memref<64x128xf32, #tpu.memory_space<vmem>>, vector<1x128xf32>,
    %slice3A_362 = vector.extract_strided_slice %max3A_15 {offsets = [1600, 0], sizes = [32, 128], strides = [1, 1]} : vector<2048x128xf32> to vector<32x128xf32>
    %reduce_max3A_363 = arith.constant dense<0xFF800000> : vector<128xf32>
    %reduce_max3A_364 = vector.multi_reduction <maximumf>, %slice3A_362, %reduce_max3A_363 [0] : vector<32x128xf32> to vector<128xf32>
    %broadcast_in_dim3A_365 = vector.shape_cast %reduce_max3A_364 : vector<128xf32> to vector<1x128xf32>
    %swap3A_366 = arith.constant 50 : index
    %swap3A_367 = arith.constant 0 : index
    %swap3A_368 = vector.load %arg5[%swap3A_366, %swap3A_367] : memref<64x128xf32, #tpu.memory_space<vmem>>, vector<1x128xf32>
    tpu.vector_store %arg5[%swap3A_366, %swap3A_367], %broadcast_in_dim3A_365 {strides = array<i32>} : memref<64x128xf32, #tpu.memory_space<vmem>>, vector<1x128xf32>,
    %slice3A_369 = vector.extract_strided_slice %max3A_15 {offsets = [1632, 0], sizes = [32, 128], strides = [1, 1]} : vector<2048x128xf32> to vector<32x128xf32>
    %reduce_max3A_370 = arith.constant dense<0xFF800000> : vector<128xf32>
    %reduce_max3A_371 = vector.multi_reduction <maximumf>, %slice3A_369, %reduce_max3A_370 [0] : vector<32x128xf32> to vector<128xf32>
    %broadcast_in_dim3A_372 = vector.shape_cast %reduce_max3A_371 : vector<128xf32> to vector<1x128xf32>
    %swap3A_373 = arith.constant 51 : index
    %swap3A_374 = arith.constant 0 : index
    %swap3A_375 = vector.load %arg5[%swap3A_373, %swap3A_374] : memref<64x128xf32, #tpu.memory_space<vmem>>, vector<1x128xf32>
    tpu.vector_store %arg5[%swap3A_373, %swap3A_374], %broadcast_in_dim3A_372 {strides = array<i32>} : memref<64x128xf32, #tpu.memory_space<vmem>>, vector<1x128xf32>,
    %slice3A_376 = vector.extract_strided_slice %max3A_15 {offsets = [1664, 0], sizes = [32, 128], strides = [1, 1]} : vector<2048x128xf32> to vector<32x128xf32>
    %reduce_max3A_377 = arith.constant dense<0xFF800000> : vector<128xf32>
    %reduce_max3A_378 = vector.multi_reduction <maximumf>, %slice3A_376, %reduce_max3A_377 [0] : vector<32x128xf32> to vector<128xf32>
    %broadcast_in_dim3A_379 = vector.shape_cast %reduce_max3A_378 : vector<128xf32> to vector<1x128xf32>
    %swap3A_380 = arith.constant 52 : index
    %swap3A_381 = arith.constant 0 : index
    %swap3A_382 = vector.load %arg5[%swap3A_380, %swap3A_381] : memref<64x128xf32, #tpu.memory_space<vmem>>, vector<1x128xf32>
    tpu.vector_store %arg5[%swap3A_380, %swap3A_381], %broadcast_in_dim3A_379 {strides = array<i32>} : memref<64x128xf32, #tpu.memory_space<vmem>>, vector<1x128xf32>,
    %slice3A_383 = vector.extract_strided_slice %max3A_15 {offsets = [1696, 0], sizes = [32, 128], strides = [1, 1]} : vector<2048x128xf32> to vector<32x128xf32>
    %reduce_max3A_384 = arith.constant dense<0xFF800000> : vector<128xf32>
    %reduce_max3A_385 = vector.multi_reduction <maximumf>, %slice3A_383, %reduce_max3A_384 [0] : vector<32x128xf32> to vector<128xf32>
    %broadcast_in_dim3A_386 = vector.shape_cast %reduce_max3A_385 : vector<128xf32> to vector<1x128xf32>
    %swap3A_387 = arith.constant 53 : index
    %swap3A_388 = arith.constant 0 : index
    %swap3A_389 = vector.load %arg5[%swap3A_387, %swap3A_388] : memref<64x128xf32, #tpu.memory_space<vmem>>, vector<1x128xf32>
    tpu.vector_store %arg5[%swap3A_387, %swap3A_388], %broadcast_in_dim3A_386 {strides = array<i32>} : memref<64x128xf32, #tpu.memory_space<vmem>>, vector<1x128xf32>,
    %slice3A_390 = vector.extract_strided_slice %max3A_15 {offsets = [1728, 0], sizes = [32, 128], strides = [1, 1]} : vector<2048x128xf32> to vector<32x128xf32>
    %reduce_max3A_391 = arith.constant dense<0xFF800000> : vector<128xf32>
    %reduce_max3A_392 = vector.multi_reduction <maximumf>, %slice3A_390, %reduce_max3A_391 [0] : vector<32x128xf32> to vector<128xf32>
    %broadcast_in_dim3A_393 = vector.shape_cast %reduce_max3A_392 : vector<128xf32> to vector<1x128xf32>
    %swap3A_394 = arith.constant 54 : index
    %swap3A_395 = arith.constant 0 : index
    %swap3A_396 = vector.load %arg5[%swap3A_394, %swap3A_395] : memref<64x128xf32, #tpu.memory_space<vmem>>, vector<1x128xf32>
    tpu.vector_store %arg5[%swap3A_394, %swap3A_395], %broadcast_in_dim3A_393 {strides = array<i32>} : memref<64x128xf32, #tpu.memory_space<vmem>>, vector<1x128xf32>,
    %slice3A_397 = vector.extract_strided_slice %max3A_15 {offsets = [1760, 0], sizes = [32, 128], strides = [1, 1]} : vector<2048x128xf32> to vector<32x128xf32>
    %reduce_max3A_398 = arith.constant dense<0xFF800000> : vector<128xf32>
    %reduce_max3A_399 = vector.multi_reduction <maximumf>, %slice3A_397, %reduce_max3A_398 [0] : vector<32x128xf32> to vector<128xf32>
    %broadcast_in_dim3A_400 = vector.shape_cast %reduce_max3A_399 : vector<128xf32> to vector<1x128xf32>
    %swap3A_401 = arith.constant 55 : index
    %swap3A_402 = arith.constant 0 : index
    %swap3A_403 = vector.load %arg5[%swap3A_401, %swap3A_402] : memref<64x128xf32, #tpu.memory_space<vmem>>, vector<1x128xf32>
    tpu.vector_store %arg5[%swap3A_401, %swap3A_402], %broadcast_in_dim3A_400 {strides = array<i32>} : memref<64x128xf32, #tpu.memory_space<vmem>>, vector<1x128xf32>,
    %slice3A_404 = vector.extract_strided_slice %max3A_15 {offsets = [1792, 0], sizes = [32, 128], strides = [1, 1]} : vector<2048x128xf32> to vector<32x128xf32>
    %reduce_max3A_405 = arith.constant dense<0xFF800000> : vector<128xf32>
    %reduce_max3A_406 = vector.multi_reduction <maximumf>, %slice3A_404, %reduce_max3A_405 [0] : vector<32x128xf32> to vector<128xf32>
    %broadcast_in_dim3A_407 = vector.shape_cast %reduce_max3A_406 : vector<128xf32> to vector<1x128xf32>
    %swap3A_408 = arith.constant 56 : index
    %swap3A_409 = arith.constant 0 : index
    %swap3A_410 = vector.load %arg5[%swap3A_408, %swap3A_409] : memref<64x128xf32, #tpu.memory_space<vmem>>, vector<1x128xf32>
    tpu.vector_store %arg5[%swap3A_408, %swap3A_409], %broadcast_in_dim3A_407 {strides = array<i32>} : memref<64x128xf32, #tpu.memory_space<vmem>>, vector<1x128xf32>,
    %slice3A_411 = vector.extract_strided_slice %max3A_15 {offsets = [1824, 0], sizes = [32, 128], strides = [1, 1]} : vector<2048x128xf32> to vector<32x128xf32>
    %reduce_max3A_412 = arith.constant dense<0xFF800000> : vector<128xf32>
    %reduce_max3A_413 = vector.multi_reduction <maximumf>, %slice3A_411, %reduce_max3A_412 [0] : vector<32x128xf32> to vector<128xf32>
    %broadcast_in_dim3A_414 = vector.shape_cast %reduce_max3A_413 : vector<128xf32> to vector<1x128xf32>
    %swap3A_415 = arith.constant 57 : index
    %swap3A_416 = arith.constant 0 : index
    %swap3A_417 = vector.load %arg5[%swap3A_415, %swap3A_416] : memref<64x128xf32, #tpu.memory_space<vmem>>, vector<1x128xf32>
    tpu.vector_store %arg5[%swap3A_415, %swap3A_416], %broadcast_in_dim3A_414 {strides = array<i32>} : memref<64x128xf32, #tpu.memory_space<vmem>>, vector<1x128xf32>,
    %slice3A_418 = vector.extract_strided_slice %max3A_15 {offsets = [1856, 0], sizes = [32, 128], strides = [1, 1]} : vector<2048x128xf32> to vector<32x128xf32>
    %reduce_max3A_419 = arith.constant dense<0xFF800000> : vector<128xf32>
    %reduce_max3A_420 = vector.multi_reduction <maximumf>, %slice3A_418, %reduce_max3A_419 [0] : vector<32x128xf32> to vector<128xf32>
    %broadcast_in_dim3A_421 = vector.shape_cast %reduce_max3A_420 : vector<128xf32> to vector<1x128xf32>
    %swap3A_422 = arith.constant 58 : index
    %swap3A_423 = arith.constant 0 : index
    %swap3A_424 = vector.load %arg5[%swap3A_422, %swap3A_423] : memref<64x128xf32, #tpu.memory_space<vmem>>, vector<1x128xf32>
    tpu.vector_store %arg5[%swap3A_422, %swap3A_423], %broadcast_in_dim3A_421 {strides = array<i32>} : memref<64x128xf32, #tpu.memory_space<vmem>>, vector<1x128xf32>,
    %slice3A_425 = vector.extract_strided_slice %max3A_15 {offsets = [1888, 0], sizes = [32, 128], strides = [1, 1]} : vector<2048x128xf32> to vector<32x128xf32>
    %reduce_max3A_426 = arith.constant dense<0xFF800000> : vector<128xf32>
    %reduce_max3A_427 = vector.multi_reduction <maximumf>, %slice3A_425, %reduce_max3A_426 [0] : vector<32x128xf32> to vector<128xf32>
    %broadcast_in_dim3A_428 = vector.shape_cast %reduce_max3A_427 : vector<128xf32> to vector<1x128xf32>
    %swap3A_429 = arith.constant 59 : index
    %swap3A_430 = arith.constant 0 : index
    %swap3A_431 = vector.load %arg5[%swap3A_429, %swap3A_430] : memref<64x128xf32, #tpu.memory_space<vmem>>, vector<1x128xf32>
    tpu.vector_store %arg5[%swap3A_429, %swap3A_430], %broadcast_in_dim3A_428 {strides = array<i32>} : memref<64x128xf32, #tpu.memory_space<vmem>>, vector<1x128xf32>,
    %slice3A_432 = vector.extract_strided_slice %max3A_15 {offsets = [1920, 0], sizes = [32, 128], strides = [1, 1]} : vector<2048x128xf32> to vector<32x128xf32>
    %reduce_max3A_433 = arith.constant dense<0xFF800000> : vector<128xf32>
    %reduce_max3A_434 = vector.multi_reduction <maximumf>, %slice3A_432, %reduce_max3A_433 [0] : vector<32x128xf32> to vector<128xf32>
    %broadcast_in_dim3A_435 = vector.shape_cast %reduce_max3A_434 : vector<128xf32> to vector<1x128xf32>
    %swap3A_436 = arith.constant 60 : index
    %swap3A_437 = arith.constant 0 : index
    %swap3A_438 = vector.load %arg5[%swap3A_436, %swap3A_437] : memref<64x128xf32, #tpu.memory_space<vmem>>, vector<1x128xf32>
    tpu.vector_store %arg5[%swap3A_436, %swap3A_437], %broadcast_in_dim3A_435 {strides = array<i32>} : memref<64x128xf32, #tpu.memory_space<vmem>>, vector<1x128xf32>,
    %slice3A_439 = vector.extract_strided_slice %max3A_15 {offsets = [1952, 0], sizes = [32, 128], strides = [1, 1]} : vector<2048x128xf32> to vector<32x128xf32>
    %reduce_max3A_440 = arith.constant dense<0xFF800000> : vector<128xf32>
    %reduce_max3A_441 = vector.multi_reduction <maximumf>, %slice3A_439, %reduce_max3A_440 [0] : vector<32x128xf32> to vector<128xf32>
    %broadcast_in_dim3A_442 = vector.shape_cast %reduce_max3A_441 : vector<128xf32> to vector<1x128xf32>
    %swap3A_443 = arith.constant 61 : index
    %swap3A_444 = arith.constant 0 : index
    %swap3A_445 = vector.load %arg5[%swap3A_443, %swap3A_444] : memref<64x128xf32, #tpu.memory_space<vmem>>, vector<1x128xf32>
    tpu.vector_store %arg5[%swap3A_443, %swap3A_444], %broadcast_in_dim3A_442 {strides = array<i32>} : memref<64x128xf32, #tpu.memory_space<vmem>>, vector<1x128xf32>,
    %slice3A_446 = vector.extract_strided_slice %max3A_15 {offsets = [1984, 0], sizes = [32, 128], strides = [1, 1]} : vector<2048x128xf32> to vector<32x128xf32>
    %reduce_max3A_447 = arith.constant dense<0xFF800000> : vector<128xf32>
    %reduce_max3A_448 = vector.multi_reduction <maximumf>, %slice3A_446, %reduce_max3A_447 [0] : vector<32x128xf32> to vector<128xf32>
    %broadcast_in_dim3A_449 = vector.shape_cast %reduce_max3A_448 : vector<128xf32> to vector<1x128xf32>
    %swap3A_450 = arith.constant 62 : index
    %swap3A_451 = arith.constant 0 : index
    %swap3A_452 = vector.load %arg5[%swap3A_450, %swap3A_451] : memref<64x128xf32, #tpu.memory_space<vmem>>, vector<1x128xf32>
    tpu.vector_store %arg5[%swap3A_450, %swap3A_451], %broadcast_in_dim3A_449 {strides = array<i32>} : memref<64x128xf32, #tpu.memory_space<vmem>>, vector<1x128xf32>,
    %slice3A_453 = vector.extract_strided_slice %max3A_15 {offsets = [2016, 0], sizes = [32, 128], strides = [1, 1]} : vector<2048x128xf32> to vector<32x128xf32>
    %reduce_max3A_454 = arith.constant dense<0xFF800000> : vector<128xf32>
    %reduce_max3A_455 = vector.multi_reduction <maximumf>, %slice3A_453, %reduce_max3A_454 [0] : vector<32x128xf32> to vector<128xf32>
    %broadcast_in_dim3A_456 = vector.shape_cast %reduce_max3A_455 : vector<128xf32> to vector<1x128xf32>
    %swap3A_457 = arith.constant 63 : index
    %swap3A_458 = arith.constant 0 : index
    %swap3A_459 = vector.load %arg5[%swap3A_457, %swap3A_458] : memref<64x128xf32, #tpu.memory_space<vmem>>, vector<1x128xf32>
    tpu.vector_store %arg5[%swap3A_457, %swap3A_458], %broadcast_in_dim3A_456 {strides = array<i32>} : memref<64x128xf32, #tpu.memory_space<vmem>>, vector<1x128xf32>,
    return
  }
  func.func @transform_0(%arg0: i32) -> (i32, i32) {
    %c0_i32 = arith.constant 0 : i32
    %c0_i32_0 = arith.constant 0 : i32
    return %arg0, %c0_i32 : i32, i32
  }
  func.func @transform_1(%arg0: i32) -> (i32, i32) {
    %c0_i32 = arith.constant 0 : i32
    %c0_i32_0 = arith.constant 0 : i32
    %c0_i32_1 = arith.constant 0 : i32
    return %c0_i32, %c0_i32_0 : i32, i32
  }
  func.func @transform_2(%arg0: i32) -> (i32, i32) {
    %c0_i32 = arith.constant 0 : i32
    %c0_i32_0 = arith.constant 0 : i32
    %c0_i32_1 = arith.constant 0 : i32
    return %c0_i32, %c0_i32_0 : i32, i32
  }
  func.func @transform_3(%arg0: i32) -> (i32, i32) {
    %c0_i32 = arith.constant 0 : i32
    %c0_i32_0 = arith.constant 0 : i32
    %c0_i32_1 = arith.constant 0 : i32
    return %c0_i32, %c0_i32_0 : i32, i32
  }
  func.func @transform_4(%arg0: i32) -> (i32, i32) {
    %c0_i32 = arith.constant 0 : i32
    %c0_i32_0 = arith.constant 0 : i32
    return %arg0, %c0_i32 : i32, i32
  }
}

</mosaic_0001>

<sc_bundles>
// kernel: kernel.12.cloned.1.call-start
scs
__scs_entry_jumppad:
0x0: {  	(pc) =	sbr.rel $0x88, $3  }
0x1: {  	(tag) =	ssettag $0x0;
	lr =	simm.s32 $0x1  }
0x2: {  	[smem:$0x3F96] =	sst lr;
	_ =	strace $0xD0000000  }
0x3: {  	_ = 	snop  }
0x4: {  	_ = 	snop  }
0x5: {  	_ = 	snop  }
0x6: {  	_ = 	snop  }
0x7: {  	_ = 	snop  }
__scs_overlays_trampoline_lowered:
0x8: {  	[smem:$0x3FA5] =	sst s0  }
0x9: {  	[smem:$0x3FA6] =	sst s1  }
0xa: {  	[smem:$0x3FA7] =	sst s2  }
0xb: {  	[smem:$0x3FA8] =	sst s3  }
0xc: {  	[smem:$0x3FA9] =	sst s4  }
0xd: {  	[smem:$0x3FAA] =	sst s5  }
0xe: {  	[smem:$0x3FAB] =	sst s6  }
0xf: {  	[smem:$0x3FAC] =	sst s7  }
0x10: {  	[smem:$0x3FAD] =	sst s8  }
0x11: {  	[smem:$0x3FAE] =	sst s9;
	s0 =	simm.s32 @!p0 $0x0  }
0x12: {  	s1 =	sld [smem:$0x3F94];
	s0 =	simm.s32 @p0 $0x1  }
0x13: {  	[smem:$0x3FAF] =	sst s0;
	s0 =	simm.s32 @!p1 $0x0  }
0x14: {  	s2 =	sld [smem:$0x3F93];
	s0 =	simm.s32 @p1 $0x1  }
0x15: {  	[smem:$0x3FB0] =	sst s0;
	s0 =	simm.s32 @!p2 $0x0  }
0x16: {  	s3 =	sld [smem:$0x3FDB];
	s0 =	simm.s32 @p2 $0x1  }
0x17: {  	s4 =	simm.s32 $0x1BF5;
	[smem:$0x3FB2] =	sst s0  }
0x18: {  	s0 =	sld [smem:$0x3F95];
	_ =	swait.ge [sflag:s4], $0x0  }
0x19: {  	s7 =	sld [smem:$0x3F96]  }
0x1a: {  	s8 =	sadd.s32 $0xFFFFE003, lr  }
0x1b: {  	s9 =	sadd.s32 $0xFFFFFEF7, lr;
	s5 =	simm.s32 $0xFFFFFFFF;
	p2 =	slt.u32 s8, $0xFFFFF086  }
0x1c: {  	p1 =	slt.u32 s9, $0xF7A;
	s5 =	simm.s32 @!p2 $0x0  }
0x1d: {  	s5 =	simm.s32 @p1 $0x1;
	p0 =	seq.s32 s7, s2  }
0x1e: {  	s7 =	smul.u32 @!p0 $0xF7A, s2;
	p2 =	seq.s32 @!p0 s5, $0x0  }
0x1f: {  	s9 =	smul.u32 $0xF7A, s1;
	s8 =	simm.s32 @!p0 $0x1BF5;
	p2 =	por !p2, p0  }
0x20: {  	[sflag:s8] =	ssyncset.s32 @!p0 $0xFFFFF086;
	s6 =	sadd.s32 @!p0 s3, s7;
	s7 =	simm.s32 @!p0 $0x108  }
0x21: {  	s3 =	sadd.s32 s3, s9;
	s6 =	sadd.s32 @!p0 $0x88, s6;
	s7 =	simm.s32 @p2 $0x1082  }
0x22: {  	[simem:s7], [sflag:s8] =	dma.local @!p0 [hbm:s6], $0xF7A  }
0x23: {  	s9 =	sor.u32 $0xD0000000, s2;
	s6 =	simm.s32 $0x108;
	_ =	swait.ge @!p0 [sflag:s8], $0x0  }
0x24: {  	s3 =	sadd.s32 $0x88, s3;
	s6 =	simm.s32 @!p1 $0x1082;
	[sflag:s4] =	ssyncset.s32 $0xFFFFF086  }
0x25: {  	[simem:s6], [sflag:s4] =	dma.local [hbm:s3], $0xF7A  }
0x26: {  	[smem:$0x3F96] =	sst s1;
	(tag) =	ssettag s2;
	_ =	strace s9  }
0x27: {  	s1 =	sld [smem:$0x3FA6]  }
0x28: {  	s2 =	sld [smem:$0x3FA7]  }
0x29: {  	s4 =	sld [smem:$0x3FA9]  }
0x2a: {  	p0 =	seq.s32 s5, $0x0;
	s5 =	sld [smem:$0x3FAA]  }
0x2b: {  	s6 =	sld [smem:$0x3FAB]  }
0x2c: {  	s7 =	sld [smem:$0x3FAC]  }
0x2d: {  	s3 =	simm.s32 $0x108;
	s8 =	sld [smem:$0x3FAD]  }
0x2e: {  	s3 =	simm.s32 @!p0 $0x1082;
	s9 =	sld [smem:$0x3FAE]  }
0x2f: {  	lr =	sadd.s32 s0, s3;
	s0 =	sld [smem:$0x3FA5]  }
0x30: {  	s3 =	sld [smem:$0x3FA8]  }
0x31: {  	[smem:$0x3FB1] =	sst s10  }
0x32: {  	s10 =	sld [smem:$0x3FAF];
	_ =	sdelay $0x3  }
0x33: {  	p0 =	seq.s32 s10, $0x1;
	s10 =	sld [smem:$0x3FB1];
	_ =	sdelay $0x3  }
0x34: {  	[smem:$0x3FB1] =	sst s10  }
0x35: {  	s10 =	sld [smem:$0x3FB0];
	_ =	sdelay $0x3  }
0x36: {  	p1 =	seq.s32 s10, $0x1;
	s10 =	sld [smem:$0x3FB1];
	_ =	sdelay $0x3  }
0x37: {  	[smem:$0x3FB1] =	sst s10  }
0x38: {  	s10 =	sld [smem:$0x3FB2]  }
0x39: {  	_ = 	snop;
	(pc) =	sbr.ind lr, $3  }
0x3a: {  	_ = 	snop  }
0x3b: {  	_ = 	snop  }
0x3c: {  	p2 =	seq.s32 s10, $0x1;
	s10 =	sld [smem:$0x3FB1]  }
0x3d: {  	_ =	shalt  }
0x3e: {  	_ =	shalt  }
0x3f: {  	_ =	shalt  }
0x40: {  	_ =	shalt  }
0x41: {  	_ =	shalt  }
0x42: {  	_ =	shalt  }
0x43: {  	_ =	shalt  }
0x44: {  	_ =	shalt  }
0x45: {  	_ =	shalt  }
0x46: {  	_ =	shalt  }
0x47: {  	_ =	shalt  }
0x48: {  	_ =	shalt  }
0x49: {  	_ =	shalt  }
0x4a: {  	_ =	shalt  }
0x4b: {  	_ =	shalt  }
0x4c: {  	_ =	shalt  }
0x4d: {  	_ =	shalt  }
0x4e: {  	_ =	shalt  }
0x4f: {  	_ =	shalt  }
0x50: {  	_ =	shalt  }
0x51: {  	_ =	shalt  }
0x52: {  	_ =	shalt  }
0x53: {  	_ =	shalt  }
0x54: {  	_ =	shalt  }
0x55: {  	_ =	shalt  }
0x56: {  	_ =	shalt  }
0x57: {  	_ =	shalt  }
0x58: {  	_ =	shalt  }
0x59: {  	_ =	shalt  }
0x5a: {  	_ =	shalt  }
0x5b: {  	_ =	shalt  }
0x5c: {  	_ =	shalt  }
0x5d: {  	_ =	shalt  }
0x5e: {  	_ =	shalt  }
0x5f: {  	_ =	shalt  }
0x60: {  	_ =	shalt  }
0x61: {  	_ =	shalt  }
0x62: {  	_ =	shalt  }
0x63: {  	_ =	shalt  }
0x64: {  	_ =	shalt  }
0x65: {  	_ =	shalt  }
0x66: {  	_ =	shalt  }
0x67: {  	_ =	shalt  }
0x68: {  	_ =	shalt  }
0x69: {  	_ =	shalt  }
0x6a: {  	_ =	shalt  }
0x6b: {  	_ =	shalt  }
0x6c: {  	_ =	shalt  }
0x6d: {  	_ =	shalt  }
0x6e: {  	_ =	shalt  }
0x6f: {  	_ =	shalt  }
0x70: {  	_ =	shalt  }
0x71: {  	_ =	shalt  }
0x72: {  	_ =	shalt  }
0x73: {  	_ =	shalt  }
0x74: {  	_ =	shalt  }
0x75: {  	_ =	shalt  }
0x76: {  	_ =	shalt  }
0x77: {  	_ =	shalt  }
0x78: {  	_ =	shalt  }
0x79: {  	_ =	shalt  }
0x7a: {  	_ =	shalt  }
0x7b: {  	_ =	shalt  }
0x7c: {  	_ =	shalt  }
0x7d: {  	_ =	shalt  }
0x7e: {  	_ =	shalt  }
0x7f: {  	_ =	shalt  }
0x80: {  	_ =	shalt  }
0x81: {  	_ =	shalt  }
0x82: {  	_ =	shalt  }
0x83: {  	_ =	shalt  }
0x84: {  	_ =	shalt  }
0x85: {  	_ =	shalt  }
0x86: {  	_ =	shalt  }
0x87: {  	_ =	shalt  }
.Lfunc_end0:
.L_simem_size_0:
called_computation_lowered:
.L_overlay_start_0:
0x88: {  	s2 =	sld [smem:$0x3FD9]  }
0x89: {  	s3 =	sld [smem:$0x3FFE];
	_ =	sdelay $0x1  }
0x8a: {  	s1 =	srdreg.scid  }
0x8b: {  	s0 =	sand.u32 $0x1, s1  }
0x8c: {  	s14 =	sshll.u32 s0, $0xA;
	s2 =	sadd.s32 s3, s2  }
0x8d: {  	s2 =	sadd.s32 s2, s14  }
0x8e: {  	[smem:$0x3FBD] =	sst s2  }
0x8f: {  	_ = 	snop  }
0x90: {  	s2 =	sld [smem:$0x3FD0];
	_ =	sdelay $0x2  }
0x91: {  	s15 =	simm.s32 $0xA;
	s4 =	simm.s32 $0x10  }
0x92: {  	[smem:s4], [sflag:s15] =	dma.local [hbm:s2], $0x1  }
0x93: {  	_ =	swait.eq [sflag:s15], $0x1  }
0x94: {  	[sflag:s15] =	ssyncset.done $0x0  }
0x95: {  	[sflag:s15] =	ssyncadd.s32 $0xFFFFFFFF  }
0x96: {  	s16 =	sld [smem:$0x11];
	(tm) =	ssettm $0x1  }
0x97: {  	s17 =	sld [smem:$0x3FFB];
	_ =	sdelay $0x3  }
0x98: {  	_ =	strace s17  }
0x99: {  	s3 =	sld [smem:$0x3FFC];
	_ =	sdelay $0x3  }
0x9a: {  	_ =	strace s3  }
0x9b: {  	s3 =	sld [smem:$0x3FFD];
	_ =	sdelay $0x3  }
0x9c: {  	_ =	strace s3  }
0x9d: {  	_ =	strace $0x8FFFFFFF  }
0x9e: {  	s18 =	sld [smem:$0x3FDB];
	_ =	sdelay $0x1  }
0x9f: {  	s19 =	simm.s32 $_scs_section_size  }
0xa0: {  	s5 =	simm.s32 $_size__tile_overlayer_lowered;
	s6 =	simm.s32 $_tile_overlayer_lowered  }
0xa1: {  	s22 =	simm.s32 $0x1BFF;
	s21 =	sshll.u32 s6, $0x1;
	s3 =	sadd.s32 s19, s18  }
0xa2: {  	s7 =	simm.s32 $0x0;
	s20 =	sshll.u32 s5, $0x1;
	s5 =	sadd.s32 s21, s3  }
0xa3: {  	[timem:s7], [sflag:s22] =	dma.local [hbm:s5], s20  }
0xa4: {  	_ =	swait.ge [sflag:s22], s20  }
0xa5: {  	s4 =	ssub.s32 $0x0, s20;
	[sflag:s22] =	ssyncset.done $0x0  }
0xa6: {  	[sflag:s22] =	ssyncadd.s32 s4;
	_ =	sdelay $0x1  }
0xa7: {  	s23 =	simm.s32 $0x1B8B  }
0xa8: {  	_ =	swait.ge [sflag:s23], $0x1  }
0xa9: {  	[sflag:s23] =	ssyncset.done $0x0  }
0xaa: {  	s25 =	simm.s32 $0x1B8E;
	s24 =	sld [smem:$0x3FFE];
	[sflag:s23] =	ssyncadd.s32 $0xFFFFFFFF  }
0xab: {  	s26 =	simm.s32 $execute0_lowered;
	[smem:$0x3FD2] =	sst s25  }
0xac: {  	s5 =	sshll.u32 s26, $0x1;
	_ =	strace $0x80000046;
	[dreg:$0x1] =	wrdreg $0xFFFFFFFF  }
0xad: {  	s28 =	simm.s32 $_size_execute0_lowered;
	s3 =	sadd.s32 s3, s5;
	[dreg:$0x0] =	wrdreg $0x0  }
0xae: {  	s5 =	sshll.u32 s28, $0x1;
	[dreg:$0x2] =	wrdreg s3  }
0xaf: {  	[dreg:$0x3] =	wrdreg s5  }
0xb0: {  	[dreg:$0x4] =	wrdreg $0xC0  }
0xb1: {  	_ =	task [dreg:s7], $0x5FFFF  }
0xb2: {  	[dreg:$0x1] =	wrdreg $0xFFFFFFFF  }
0xb3: {  	[dreg:$0x0] =	wrdreg $0x60  }
0xb4: {  	[dreg:$0x2] =	wrdreg s24  }
0xb5: {  	[dreg:$0x3] =	wrdreg s16  }
0xb6: {  	[dreg:$0x4] =	wrdreg $0x9  }
0xb7: {  	_ =	task.clear_ibuf [dreg:s7], $0x5FFFF;
	_ =	strace $0x90000046  }
0xb8: {  	s29 =	simm.s32 $0x9;
	_ =	strace $0x80000048  }
0xb9: {  	_ =	swait.ge [sflag:s29], $0x1  }
0xba: {  	[sflag:s29] =	ssyncadd.s32 $0xFFFFFFFF  }
0xbb: {  	_ =	strace $0x90000048  }
0xbc: {  	_ =	sfence  }
0xbd: {  	s30 =	sld [smem:$0x0];
	_ =	sdelay $0x2  }
0xbe: {  	s31 =	sshll.u32 s1, $0xD;
	s1 =	sshrl.u32 s1, $0x2  }
0xbf: {  	s3 =	sand.u32 $0x4000, s31;
	s1 =	sadd.s32 s1, s30  }
0xc0: {  	s0 =	sor.u32 s3, s0;
	s1 =	sshll.u32 s1, $0x11  }
0xc1: {  	s0 =	sor.u32 s1, s0  }
0xc2: {  	s0 =	sadd.s32 $0x8F2B, s0  }
0xc3: {  	[sflag:s0] =	ssyncadd.remote.s32 $0x1  }
0xc4: {  	_ =	sfence.sel $0xFFFF  }
0xc5: {  	[dreg:$0x0] =	wrdreg $0xFFFFFFFF;
	(pc) =	sbr.abs _section_cstart, $3  }
0xc6: {  	[dreg:$0x1] =	wrdreg $0xFFFFFFFF  }
0xc7: {  	_ =	task.clear_ibuf [dreg:s7], $0x2FFFF;
	_ =	strace $0x9FFFFFFF  }
0xc8: {  	(tm) =	ssettm $0x7FFFFFFF  }
0xc9: {  	_ =	shalt  }
tec
execute0_lowered:
.L_overlay_start_1:
0x0: {  	(tag) =	ssettag $0x1  }
0x1: {  	s4 =	rddreg [dreg:$0x0]  }
0x2: {  	s5 =	rddreg [dreg:$0x1]  }
0x3: {  	s0 =	rddreg [dreg:$0x2];
	s2 =	simm.s32 $0x0;
	s1 =	stileid.u32  }
0x4: {  	s6 =	srdreg.scid;
	[smem:$0x7FF] =	sst s2;
	s3 =	sadd.s32 $0x2200, s4  }
0x5: {  	s7 =	smul.u32 $0x14000, s1;
	s6 =	sand.u32 $0x1, s6;
	s9 =	sshll.u32 s1, $0xD  }
0x6: {  	_ =	strace $0x80000047;
	s8 =	ssub.s32 $0x2, s6;
	s10 =	sshll.u32 s6, $0xC  }
0x7: {  	s6 =	smul.u32 $0xA000, s6;
	s11 =	sshrl.u32 s8, $0x1;
	s9 =	sor.u32 s10, s9  }
0x8: {  	s7 =	sadd.s32 s7, s4;
	s10 =	simm.s32 $0x1;
	s8 =	ssub.s32 s8, s11  }
0x9: {  	s31 =	sshrl.u32 s9, $0x3;
	s6 =	sadd.s32 s6, s7;
	s7 =	simm.s32 $0x2  }
0xa: {  	s9 =	simm.s32 $0x1000;
	s11 =	simm.s32 $0x0;
	s4 =	sadd.s32 s5, s31  }
0xb: {  	s5 =	smax.u32 s8, $0x1;
	s6 =	sadd.s32 $0x52200, s6;
	s8 =	simm.s32 $0x80  }
.LBB2_1:
0xc: {  	[tilespmem:s2], [sflag:$0x2] =	stream.linear.gather [hbm4b:s4+s2], $0x1000, $0x38;
	[tilespmem:$0x3800] =	vst v63  }
0xd: {  	_ =	swait.ge [sflag:s7], $0x1000  }
0xe: {  	[sflag:s7] =	ssyncset.done $0x0  }
0xf: {  	s12 =	simm.s32 $0x0;
	[sflag:s7] =	ssyncadd.s32 $0xFFFFF000  }
0x10: {  	[tilespmem:s9], [sflag:$0x1] =	stream.indirect.gather [hbm4b:s3+s8], $0x50, s12, s8, $0xb8;
	[tilespmem:$0x3800] =	vst v63  }
0x11: {  	_ =	swait.ge [sflag:s10], $0x2800  }
0x12: {  	[sflag:s10] =	ssyncset.done $0x0  }
0x13: {  	[sflag:s10] =	ssyncadd.s32 $0xFFFFD800  }
0x14: {  	[hbm4b:s6+s2] =	stream.linear.scatter [tilespmem:s9], [sflag:$0x2], $0x2800, $0x38;
	[tilespmem:$0x3800] =	vst v63  }
0x15: {  	s13 =	simm.s32 $0x200;
	_ =	swait.ge [sflag:s7], $0x2800  }
0x16: {  	s14 =	simm.s32 $0x400;
	s12 =	sadd.s32 $0x500, s6;
	[sflag:s7] =	ssyncset.done $0x0  }
.LBB2_2:
0x17: {  	s15 =	sshra.s32 s13, $0x2  }
0x18: {  	[sflag:s7] =	ssyncadd.s32 $0xFFFFD800;
	s13 =	smov.u32 s14;
	s16 =	sadd.s32 $0x200, s14  }
0x19: {  	[tilespmem:s9], [sflag:$0x1] =	stream.indirect.gather [hbm4b:s3+s8], $0x50, s15, s8, $0xb8;
	[tilespmem:$0x3800] =	vst v63  }
0x1a: {  	p0 =	sne.s32 s14, $0x3E00;
	_ =	swait.ge [sflag:s10], $0x2800  }
.Ltmp0:
0x1b: {  	[sflag:s10] =	ssyncset.done $0x0;
	(pc) =	sbr.rel @p0 .LBB2_2-.Ltmp0, $4  }
0x1c: {  	[sflag:s10] =	ssyncadd.s32 $0xFFFFD800  }
0x1d: {  	[hbm4b:s12+s2] =	stream.linear.scatter [tilespmem:s9], [sflag:$0x2], $0x2800, $0x38;
	[tilespmem:$0x3800] =	vst v63  }
0x1e: {  	_ =	swait.ge [sflag:s7], $0x2800  }
0x1f: {  	s14 =	smov.u32 s16;
	s12 =	sadd.s32 $0x500, s12;
	[sflag:s7] =	ssyncset.done $0x0  }
0x20: {  	s13 =	sshra.s32 s13, $0x2;
	[sflag:s7] =	ssyncadd.s32 $0xFFFFD800  }
0x21: {  	[tilespmem:s9], [sflag:$0x1] =	stream.indirect.gather [hbm4b:s3+s8], $0x50, s13, s8, $0xb8;
	[tilespmem:$0x3800] =	vst v63  }
0x22: {  	s11 =	sadd.s32 $0x1, s11;
	_ =	swait.ge [sflag:s10], $0x2800  }
0x23: {  	p0 =	sne.s32 s11, s5;
	[sflag:s10] =	ssyncset.done $0x0  }
.Ltmp1:
0x24: {  	[sflag:s10] =	ssyncadd.s32 $0xFFFFD800;
	(pc) =	sbr.rel @p0 .LBB2_1-.Ltmp1, $4  }
0x25: {  	[hbm4b:s12+s2] =	stream.linear.scatter [tilespmem:s9], [sflag:$0x2], $0x2800, $0x38;
	[tilespmem:$0x3800] =	vst v63  }
0x26: {  	_ =	swait.ge [sflag:s7], $0x2800  }
0x27: {  	[sflag:s7] =	ssyncset.done $0x0  }
0x28: {  	[sflag:s7] =	ssyncadd.s32 $0xFFFFD800  }
0x29: {  	_ =	sfence.sel $0x180000  }
0x2a: {  	[bflag:$0x0] =	sbarrier.arrive $0xFFFF  }
0x2b: {  	p0 =	sne.s32 s1, $0x0;
	_ =	strace $0x90000047  }
0x2c: {  	s0 =	sadd.s32 @!p0 $0x100000, s0;
	[bflag:$0x2] =	sbarrier.arrive $0xFFFF  }
0x2d: {  	[sflag:s0] =	ssyncadd.tile.s32 @!p0 $0x1;
	_ =	shalt  }
.Lfunc_end2:
_tile_overlayer_lowered:
.L_overlay_start_2:
0x2e: {  	(tag) =	ssettag $0x2  }
0x2f: {  	s0 =	rddreg [dreg:$0x0];
	s2 =	stileid.u32  }
0x30: {  	s1 =	rddreg [dreg:$0x1];
	p0 =	sne.s32 s2, $0x0  }
0x31: {  	s3 =	rddreg [dreg:$0x2];
	[bflag:$0x3] =	sbarrier.arrive $0xFFFF;
	s2 =	simm.s32 @!p0 $0x1C02  }
0x32: {  	[timem:s3], [sflag:s2] =	dma.local @!p0 [hbm:s0], s1  }
0x33: {  	s0 =	simm.s32 @!p0 $0x2  }
0x34: {  	_ =	swait.ge @!p0 [sflag:s0], s1  }
0x35: {  	s1 =	ssub.s32 @!p0 $0x0, s1;
	[sflag:s0] =	ssyncset.done @!p0 $0x0  }
0x36: {  	[sflag:s0] =	ssyncadd.s32 @!p0 s1  }
0x37: {  	[bflag:$0x3] =	sbarrier.arrive $0xFFFF  }
0x38: {  	_ =	shalt  }

</sc_bundles>
